<compile_context>
chip_gen: v7x
topology: tpu7x:2x2x1
jax: 0.10.2.dev20260603
libtpu: 0.0.44.dev20260713+nightly
codegen_flags: <defaults>
</compile_context>

<pallas_src>
import functools

import jax
import jax.numpy as jnp
import numpy as np
from jax import lax
from jax.experimental import pallas as pl
from jax.experimental.pallas import tpu as pltpu
from jax.experimental.pallas import tpu_sc as plsc

N_SAMPLES = 1024
LOSS_WEIGHT = 0.0001
NC = 2
NS = 16
L = 16
NW = NC * NS
S_PER_W = N_SAMPLES // NW
ROWS_PER_W = S_PER_W * 4


def _rotl(x, d):
    return ((x << np.uint32(d)) | (x >> np.uint32(32 - d))).astype(np.uint32)


def _threefry2x32(k1, k2, x1, x2):
    rot = [(13, 15, 26, 6), (17, 29, 16, 24)]
    ks = [np.uint32(k1), np.uint32(k2),
          np.uint32(k1) ^ np.uint32(k2) ^ np.uint32(0x1BD11BDA)]
    x = [np.asarray(x1, np.uint32) + ks[0], np.asarray(x2, np.uint32) + ks[1]]
    order = [(rot[0], ks[1], ks[2], 1), (rot[1], ks[2], ks[0], 2),
             (rot[0], ks[0], ks[1], 3), (rot[1], ks[1], ks[2], 4),
             (rot[0], ks[2], ks[0], 5)]
    for rots, ka, kb, c in order:
        for r in rots:
            x[0] = (x[0] + x[1]).astype(np.uint32)
            x[1] = x[0] ^ _rotl(x[1], r)
        x[0] = (x[0] + ka).astype(np.uint32)
        x[1] = (x[1] + kb + np.uint32(c)).astype(np.uint32)
    return x[0], x[1]


def _iota_2x32(n):
    i = np.arange(n, dtype=np.uint64)
    return ((i >> np.uint64(32)).astype(np.uint32),
            (i & np.uint64(0xFFFFFFFF)).astype(np.uint32))


def _split2(k1, k2):
    hi, lo = _iota_2x32(2)
    b1, b2 = _threefry2x32(k1, k2, hi, lo)
    return (b1[0], b2[0]), (b1[1], b2[1])


@functools.lru_cache(maxsize=None)
def _flat_indices(k: int) -> np.ndarray:
    root = (np.uint32(0), np.uint32(42))
    ku, kv = _split2(*root)
    span = np.uint32(k)
    mult = np.uint32((pow(2, 16, k) * pow(2, 16, k)) % k)
    parts = []
    for kk in (ku, kv):
        k1, k2 = _split2(*kk)
        hi, lo = _iota_2x32(N_SAMPLES * 4)
        hb = np.bitwise_xor(*_threefry2x32(k1[0], k1[1], hi, lo))
        lb = np.bitwise_xor(*_threefry2x32(k2[0], k2[1], hi, lo))
        off = ((hb % span) * mult + lb % span) % span
        parts.append(off.astype(np.int32).reshape(NW, ROWS_PER_W))
    return np.concatenate(parts, axis=1)


NCH = 4
CROWS = ROWS_PER_W // NCH
CSAMP = S_PER_W // NCH


@functools.lru_cache(maxsize=None)
def _make_gather_kernel(r: int):
    ch = r // L

    mesh = plsc.VectorSubcoreMesh(
        core_axis_name="c", subcore_axis_name="s", num_cores=NC, num_subcores=NS
    )

    @functools.partial(
        pl.kernel,
        out_type=jax.ShapeDtypeStruct((NW, L), jnp.float32),
        mesh=mesh,
        scratch_types=[
            pltpu.VMEM((2 * ROWS_PER_W,), jnp.int32),
            pltpu.VMEM((2, CROWS, r), jnp.float32),
            pltpu.VMEM((L,), jnp.float32),
            pltpu.SemaphoreType.DMA,
            pltpu.SemaphoreType.DMA,
        ],
    )
    def gather_kernel(u_hbm, v_hbm, idx_hbm, out_hbm,
                      idx_v, rows_v, stats_v, sem0, sem1):
        wid = lax.axis_index("s") * NC + lax.axis_index("c")
        lanes = lax.iota(jnp.int32, L)

        dnums = lax.GatherDimensionNumbers(
            offset_dims=(), collapsed_slice_dims=(0,), start_index_map=(0,)
        )

        def lane_total(x):
            for s in (1, 2, 4, 8):
                perm = lax.gather(
                    x, (lanes ^ s)[:, None], dnums, (1,),
                    mode=lax.GatherScatterMode.PROMISE_IN_BOUNDS,
                )
                x = x + perm
            return x

        pltpu.sync_copy(idx_hbm.at[wid], idx_v)

        tables = [u_hbm, v_hbm]
        sems = [sem0, sem1]

        def start(cb, k, buf):
            isl = idx_v.at[pl.ds(cb * ROWS_PER_W + k * CROWS, CROWS)]
            pltpu.async_copy(tables[cb].at[isl], rows_v.at[buf], sems[buf])

        def wait(cb, buf):
            pltpu.make_async_copy(
                tables[cb].at[idx_v.at[pl.ds(cb * ROWS_PER_W, CROWS)]],
                rows_v.at[buf], sems[buf],
            ).wait()

        def chunk_stats(b, carry):
            def sample_body(j, cin):
                s1, s2, sa = cin

                def chunk_body(cc, acc):
                    a = rows_v[b, 4 * j + 0, pl.ds(cc * L, L)]
                    bb = rows_v[b, 4 * j + 1, pl.ds(cc * L, L)]
                    cx = rows_v[b, 4 * j + 2, pl.ds(cc * L, L)]
                    d = rows_v[b, 4 * j + 3, pl.ds(cc * L, L)]
                    return acc + (a * bb) * (cx * d)

                acc = lax.fori_loop(
                    0, ch, chunk_body, jnp.zeros((L,), jnp.float32), unroll=2
                )
                sim = lane_total(acc) * jnp.float32(1.0 / r)
                return (s1 + sim, s2 + sim * sim, sa + jnp.abs(sim))

            return lax.fori_loop(0, CSAMP, sample_body, carry)

        z3 = (jnp.zeros((L,), jnp.float32),) * 3
        stats_cb = []
        start(0, 0, 0)
        start(0, 1, 1)
        for cb in (0, 1):

            def pair_body(p, stats, cb=cb):
                wait(cb, 0)
                stats = chunk_stats(0, stats)

                @pl.when(2 * p + 2 < NCH)
                def _():
                    start(cb, 2 * p + 2, 0)

                if cb == 0:
                    @pl.when(2 * p + 2 >= NCH)
                    def _():
                        start(1, 0, 0)

                wait(cb, 1)
                stats = chunk_stats(1, stats)

                @pl.when(2 * p + 3 < NCH)
                def _():
                    start(cb, 2 * p + 3, 1)

                if cb == 0:
                    @pl.when(2 * p + 3 >= NCH)
                    def _():
                        start(1, 1, 1)

                return stats

            stats_cb.append(lax.fori_loop(0, NCH // 2, pair_body, z3))

        s1u, s2u, sau = stats_cb[0]
        s1v, s2v, sav = stats_cb[1]

        zeros = jnp.zeros((L,), jnp.float32)
        stats = (
            jnp.where(lanes == 0, s1u, zeros)
            + jnp.where(lanes == 1, s2u, zeros)
            + jnp.where(lanes == 2, sau, zeros)
            + jnp.where(lanes == 3, s1v, zeros)
            + jnp.where(lanes == 4, s2v, zeros)
            + jnp.where(lanes == 5, sav, zeros)
        )
        stats_v[...] = stats
        pltpu.sync_copy(stats_v, out_hbm.at[wid])

    return gather_kernel


def _combine_body(p_ref, o_ref):
    tot = jnp.sum(p_ref[...], axis=0)
    lanes = lax.iota(jnp.int32, L)

    def pick(i):
        return jnp.sum(jnp.where(lanes == i, tot, 0.0))

    n = jnp.float32(N_SAMPLES)
    s1u, s2u, sau = pick(0), pick(1), pick(2)
    s1v, s2v, sav = pick(3), pick(4), pick(5)
    var_u = (s2u - s1u * s1u / n) / (n - 1.0)
    var_v = (s2v - s1v * s1v / n) / (n - 1.0)
    loss_u = -(sau / n) + 0.1 * (1.0 - var_u)
    loss_v = -(sav / n) + 0.1 * (1.0 - var_v)
    loss = (loss_u + loss_v) * LOSS_WEIGHT
    o_ref[...] = jnp.full((1, 1), loss, dtype=jnp.float32)


def kernel(codebook_U, codebook_V):
    k, r = codebook_U.shape
    idx = jnp.asarray(_flat_indices(k))
    partials = _make_gather_kernel(r)(codebook_U, codebook_V, idx)
    out = pl.pallas_call(
        _combine_body,
        out_shape=jax.ShapeDtypeStruct((1, 1), jnp.float32),
    )(partials)
    return out[0, 0]

# --- scband reference (transcript-rebuilt; emitter-appended) ---
"""Pipeline reference for scband-symbolic-diff-loss-31147102830881 (READ-ONLY COPY).

The authoritative reference and input builder live on the scoring server;
editing this copy changes nothing except your own understanding.
"""

import jax, jax.numpy as jnp
import numpy as np

RANK = 512
NUM_SAMPLES = 1024
LOSS_WEIGHT = 0.0001


def setup_inputs(seed: int = 0) -> dict:
    key = jax.random.key(seed)
    k1, k2 = jax.random.split(key)
    codebook_U = jax.random.normal(k1, (8192, 512), dtype=jnp.float32)
    codebook_V = jax.random.normal(k2, (8192, 512), dtype=jnp.float32)
    return {"codebook_U": codebook_U, "codebook_V": codebook_V}


def _symbolic_analogy_loss(codebook, indices):
    k, r = codebook.shape
    a = codebook[indices[:, 0]]
    b = codebook[indices[:, 1]]
    c = codebook[indices[:, 2]]
    d = codebook[indices[:, 3]]
    diff_ab = a * b  # XOR in {+-1} space == elementwise multiply
    diff_cd = c * d
    similarity = (diff_ab * diff_cd).sum(axis=-1) / r
    analogy_clarity = -jnp.abs(similarity).mean()
    # torch .var() uses unbiased estimator (ddof=1)
    analogy_diversity = jnp.var(similarity, ddof=1)
    return analogy_clarity + 0.1 * (1.0 - analogy_diversity)


def reference(codebook_U, codebook_V):
    k, r = codebook_U.shape
    if k < 4:
        return jnp.asarray(0.0, dtype=jnp.float32)
    # original torch module samples indices inside forward via torch.randint;
    # here we sample deterministically with a fixed jax key
    ikey = jax.random.key(42)
    ku, kv = jax.random.split(ikey)
    idx_u = jax.random.randint(ku, (NUM_SAMPLES, 4), 0, k)
    idx_v = jax.random.randint(kv, (NUM_SAMPLES, 4), 0, k)
    loss_u = _symbolic_analogy_loss(codebook_U, idx_u)
    loss_v = _symbolic_analogy_loss(codebook_V, idx_v)
    return (loss_u + loss_v) * LOSS_WEIGHT

if __name__ == "__main__":
    import jax
    _d = setup_inputs()
    print(jax.jit(kernel)(*tuple(_d.values())))

</pallas_src>

<mosaic_0001>
#map = affine_map<(d0, d1) -> (0, 0)>
module attributes {stable_mosaic.version = 14 : i64} {
  func.func @gather_kernel(%arg0: i32, %arg1: i32, %arg2: memref<8192x512xf32, #tpu.memory_space<hbm>>, %arg3: memref<8192x512xf32, #tpu.memory_space<hbm>>, %arg4: memref<32x256xi32, #tpu.memory_space<hbm>>, %arg5: memref<32x16xf32, #tpu.memory_space<hbm>>, %arg6: memref<256xi32, #tpu.memory_space<vmem>>, %arg7: memref<2x32x512xf32, #tpu.memory_space<vmem>>, %arg8: memref<16xf32, #tpu.memory_space<vmem>>, %arg9: memref<!tpu.dma_semaphore, #tpu.memory_space<semaphore_mem>>, %arg10: memref<!tpu.dma_semaphore, #tpu.memory_space<semaphore_mem>>) attributes {dimension_semantics = [#tpu.dimension_semantics<core_parallel>, #tpu.dimension_semantics<subcore_parallel>], iteration_bounds = array<i64: 2, 16>, scalar_prefetch = 0 : i64, scratch_operands = 5 : i64, tpu.core_type = #tpu.core_type<sc_vector_subcore>, window_params = [{transform_indices = #map}, {transform_indices = #map}, {transform_indices = #map}, {transform_indices = #map}]} {
    %mul3A = arith.constant 2 : i32
    %mul3A_0 = arith.muli %arg1, %mul3A : i32
    %add3A = arith.addi %mul3A_0, %arg0 : i32
    %iota3A = tpu.iota {dimensions = array<i32: 0>} : vector<16xi32>
    "tpu.region"() ({
      %run_scoped3A = tpu.sem_alloc : memref<!tpu.dma_semaphore, #tpu.memory_space<semaphore_mem>>
      %dma_start3A_64 = arith.constant 0 : i32
      %dma_start3A_65 = tpu.memref_slice %arg4[%add3A, %dma_start3A_64] : memref<32x256xi32, #tpu.memory_space<hbm>> -> memref<1x256xi32, #tpu.memory_space<hbm>>
      %dma_start3A_66 = tpu.memref_squeeze %dma_start3A_65 : memref<1x256xi32, #tpu.memory_space<hbm>> -> memref<256xi32, #tpu.memory_space<hbm>>
      %dma_start3A_67 = arith.constant 0 : i32
      %dma_start3A_68 = tpu.memref_slice %arg4[%add3A, %dma_start3A_67] : memref<32x256xi32, #tpu.memory_space<hbm>> -> memref<1x256xi32, #tpu.memory_space<hbm>>
      %dma_start3A_69 = tpu.memref_squeeze %dma_start3A_68 : memref<1x256xi32, #tpu.memory_space<hbm>> -> memref<256xi32, #tpu.memory_space<hbm>>
      tpu.enqueue_dma source(%dma_start3A_69 : memref<256xi32, #tpu.memory_space<hbm>>) target(%arg6 : memref<256xi32, #tpu.memory_space<vmem>>) target_semaphore(%run_scoped3A : memref<!tpu.dma_semaphore, #tpu.memory_space<semaphore_mem>>)
      %dma_wait3A = arith.constant 0 : i32
      %dma_wait3A_70 = tpu.memref_slice %arg4[%add3A, %dma_wait3A] : memref<32x256xi32, #tpu.memory_space<hbm>> -> memref<1x256xi32, #tpu.memory_space<hbm>>
      %dma_wait3A_71 = tpu.memref_squeeze %dma_wait3A_70 : memref<1x256xi32, #tpu.memory_space<hbm>> -> memref<256xi32, #tpu.memory_space<hbm>>
      %dma_wait3A_72 = arith.constant 0 : i32
      %dma_wait3A_73 = tpu.memref_slice %arg4[%add3A, %dma_wait3A_72] : memref<32x256xi32, #tpu.memory_space<hbm>> -> memref<1x256xi32, #tpu.memory_space<hbm>>
      %dma_wait3A_74 = tpu.memref_squeeze %dma_wait3A_73 : memref<1x256xi32, #tpu.memory_space<hbm>> -> memref<256xi32, #tpu.memory_space<hbm>>
      tpu.wait_dma2 semaphore(%run_scoped3A : memref<!tpu.dma_semaphore, #tpu.memory_space<semaphore_mem>>) src(%dma_wait3A_74 : memref<256xi32, #tpu.memory_space<hbm>>) dst(%arg6 : memref<256xi32, #tpu.memory_space<vmem>>)
      tpu.yield
    }) : () -> ()
    %broadcast_in_dim3A = arith.constant 0.000000e+00 : f32
    %broadcast_in_dim3A_1 = vector.broadcast %broadcast_in_dim3A : f32 to vector<16xf32>
    %dma_start3A = arith.constant 0 : i32
    %dma_start3A_2 = arith.constant 0 : i32
    %dma_start3A_3 = arith.constant 0 : i32
    %dma_start3A_4 = tpu.memref_slice %arg7[%dma_start3A, %dma_start3A_2, %dma_start3A_3] : memref<2x32x512xf32, #tpu.memory_space<vmem>> -> memref<1x32x512xf32, #tpu.memory_space<vmem>>
    %dma_start3A_5 = tpu.memref_squeeze %dma_start3A_4 : memref<1x32x512xf32, #tpu.memory_space<vmem>> -> memref<32x512xf32, #tpu.memory_space<vmem>>
    %dma_start3A_6 = arith.constant 0 : i32
    %dma_start3A_7 = tpu.memref_slice %arg6[%dma_start3A_6] : memref<256xi32, #tpu.memory_space<vmem>> -> memref<32xi32, #tpu.memory_space<vmem>>
    %dma_start3A_8 = arith.constant 0 : i32
    %dma_start3A_9 = arith.constant 0 : i32
    %dma_start3A_10 = tpu.memref_slice %arg2[%dma_start3A_8, %dma_start3A_9] : memref<8192x512xf32, #tpu.memory_space<hbm>> -> memref<8192x512xf32, #tpu.memory_space<hbm>>
    tpu.enqueue_indirect_dma source(%dma_start3A_10 : memref<8192x512xf32, #tpu.memory_space<hbm>>) target(%dma_start3A_5 : memref<32x512xf32, #tpu.memory_space<vmem>>) offsets(%dma_start3A_7 : memref<32xi32, #tpu.memory_space<vmem>>) semaphore(%arg9 : memref<!tpu.dma_semaphore, #tpu.memory_space<semaphore_mem>>)
    %dma_start3A_11 = arith.constant 1 : i32
    %dma_start3A_12 = arith.constant 0 : i32
    %dma_start3A_13 = arith.constant 0 : i32
    %dma_start3A_14 = tpu.memref_slice %arg7[%dma_start3A_11, %dma_start3A_12, %dma_start3A_13] : memref<2x32x512xf32, #tpu.memory_space<vmem>> -> memref<1x32x512xf32, #tpu.memory_space<vmem>>
    %dma_start3A_15 = tpu.memref_squeeze %dma_start3A_14 : memref<1x32x512xf32, #tpu.memory_space<vmem>> -> memref<32x512xf32, #tpu.memory_space<vmem>>
    %dma_start3A_16 = arith.constant 32 : i32
    %dma_start3A_17 = tpu.memref_slice %arg6[%dma_start3A_16] : memref<256xi32, #tpu.memory_space<vmem>> -> memref<32xi32, #tpu.memory_space<vmem>>
    %dma_start3A_18 = arith.constant 0 : i32
    %dma_start3A_19 = arith.constant 0 : i32
    %dma_start3A_20 = tpu.memref_slice %arg2[%dma_start3A_18, %dma_start3A_19] : memref<8192x512xf32, #tpu.memory_space<hbm>> -> memref<8192x512xf32, #tpu.memory_space<hbm>>
    tpu.enqueue_indirect_dma source(%dma_start3A_20 : memref<8192x512xf32, #tpu.memory_space<hbm>>) target(%dma_start3A_15 : memref<32x512xf32, #tpu.memory_space<vmem>>) offsets(%dma_start3A_17 : memref<32xi32, #tpu.memory_space<vmem>>) semaphore(%arg10 : memref<!tpu.dma_semaphore, #tpu.memory_space<semaphore_mem>>)
    %scan3A = arith.constant 0 : i32
    %scan3A_21 = arith.constant 2 : i32
    %scan3A_22 = arith.addi %scan3A, %scan3A_21 : i32
    %scan3A_23 = arith.constant 1 : i32
    %scan3A_24:3 = scf.for %scan3A_64 = %scan3A to %scan3A_22 step %scan3A_23 iter_args(%scan3A_65 = %broadcast_in_dim3A_1, %scan3A_66 = %broadcast_in_dim3A_1, %scan3A_67 = %broadcast_in_dim3A_1) -> (vector<16xf32>, vector<16xf32>, vector<16xf32>)  : i32 {
      %dma_wait3A = arith.constant 0 : i32
      %dma_wait3A_68 = arith.constant 0 : i32
      %dma_wait3A_69 = arith.constant 0 : i32
      %dma_wait3A_70 = tpu.memref_slice %arg7[%dma_wait3A, %dma_wait3A_68, %dma_wait3A_69] : memref<2x32x512xf32, #tpu.memory_space<vmem>> -> memref<1x32x512xf32, #tpu.memory_space<vmem>>
      %dma_wait3A_71 = tpu.memref_squeeze %dma_wait3A_70 : memref<1x32x512xf32, #tpu.memory_space<vmem>> -> memref<32x512xf32, #tpu.memory_space<vmem>>
      %dma_wait3A_72 = arith.constant 0 : i32
      %dma_wait3A_73 = tpu.memref_slice %arg6[%dma_wait3A_72] : memref<256xi32, #tpu.memory_space<vmem>> -> memref<32xi32, #tpu.memory_space<vmem>>
      %dma_wait3A_74 = arith.constant 0 : i32
      %dma_wait3A_75 = arith.constant 0 : i32
      %dma_wait3A_76 = tpu.memref_slice %arg2[%dma_wait3A_74, %dma_wait3A_75] : memref<8192x512xf32, #tpu.memory_space<hbm>> -> memref<8192x512xf32, #tpu.memory_space<hbm>>
      tpu.wait_indirect_dma semaphore(%arg9 : memref<!tpu.dma_semaphore, #tpu.memory_space<semaphore_mem>>) src(%dma_wait3A_76 : memref<8192x512xf32, #tpu.memory_space<hbm>>) dst(%dma_wait3A_71 : memref<32x512xf32, #tpu.memory_space<vmem>>)
      %scan3A_77 = arith.constant 0 : i32
      %scan3A_78 = arith.constant 8 : i32
      %scan3A_79 = arith.addi %scan3A_77, %scan3A_78 : i32
      %scan3A_80 = arith.constant 1 : i32
      %scan3A_81:3 = scf.for %scan3A_131 = %scan3A_77 to %scan3A_79 step %scan3A_80 iter_args(%scan3A_132 = %scan3A_65, %scan3A_133 = %scan3A_66, %scan3A_134 = %scan3A_67) -> (vector<16xf32>, vector<16xf32>, vector<16xf32>)  : i32 {
        %broadcast_in_dim3A_135 = arith.constant 0.000000e+00 : f32
        %broadcast_in_dim3A_136 = vector.broadcast %broadcast_in_dim3A_135 : f32 to vector<16xf32>
        %scan3A_137 = arith.constant 0 : i32
        %scan3A_138 = arith.constant 32 : i32
        %scan3A_139 = arith.addi %scan3A_137, %scan3A_138 : i32
        %scan3A_140 = arith.constant 2 : i32
        %scan3A_141 = scf.for %scan3A_176 = %scan3A_137 to %scan3A_139 step %scan3A_140 iter_args(%scan3A_177 = %broadcast_in_dim3A_136) -> (vector<16xf32>)  : i32 {
          %mul3A_178 = arith.constant 4 : i32
          %mul3A_179 = arith.muli %mul3A_178, %scan3A_131 : i32
          %add3A_180 = arith.constant 0 : i32
          %add3A_181 = arith.addi %mul3A_179, %add3A_180 : i32
          %mul3A_182 = arith.constant 16 : i32
          %mul3A_183 = arith.muli %scan3A_176, %mul3A_182 : i32
          %get3A = arith.constant 0 : i32
          %get3A_184 = arith.index_cast %get3A : i32 to index
          %get3A_185 = arith.index_cast %add3A_181 : i32 to index
          %get3A_186 = arith.index_cast %mul3A_183 : i32 to index
          %get3A_187 = tpu.vector_load %arg7[%get3A_184, %get3A_185, %get3A_186] {strides = array<i32>} : memref<2x32x512xf32, #tpu.memory_space<vmem>>, vector<1x1x16xf32>,
          %get3A_188 = vector.shape_cast %get3A_187 : vector<1x1x16xf32> to vector<16xf32>
          %mul3A_189 = arith.constant 4 : i32
          %mul3A_190 = arith.muli %mul3A_189, %scan3A_131 : i32
          %add3A_191 = arith.constant 1 : i32
          %add3A_192 = arith.addi %mul3A_190, %add3A_191 : i32
          %mul3A_193 = arith.constant 16 : i32
          %mul3A_194 = arith.muli %scan3A_176, %mul3A_193 : i32
          %get3A_195 = arith.constant 0 : i32
          %get3A_196 = arith.index_cast %get3A_195 : i32 to index
          %get3A_197 = arith.index_cast %add3A_192 : i32 to index
          %get3A_198 = arith.index_cast %mul3A_194 : i32 to index
          %get3A_199 = tpu.vector_load %arg7[%get3A_196, %get3A_197, %get3A_198] {strides = array<i32>} : memref<2x32x512xf32, #tpu.memory_space<vmem>>, vector<1x1x16xf32>,
          %get3A_200 = vector.shape_cast %get3A_199 : vector<1x1x16xf32> to vector<16xf32>
          %mul3A_201 = arith.constant 4 : i32
          %mul3A_202 = arith.muli %mul3A_201, %scan3A_131 : i32
          %add3A_203 = arith.constant 2 : i32
          %add3A_204 = arith.addi %mul3A_202, %add3A_203 : i32
          %mul3A_205 = arith.constant 16 : i32
          %mul3A_206 = arith.muli %scan3A_176, %mul3A_205 : i32
          %get3A_207 = arith.constant 0 : i32
          %get3A_208 = arith.index_cast %get3A_207 : i32 to index
          %get3A_209 = arith.index_cast %add3A_204 : i32 to index
          %get3A_210 = arith.index_cast %mul3A_206 : i32 to index
          %get3A_211 = tpu.vector_load %arg7[%get3A_208, %get3A_209, %get3A_210] {strides = array<i32>} : memref<2x32x512xf32, #tpu.memory_space<vmem>>, vector<1x1x16xf32>,
          %get3A_212 = vector.shape_cast %get3A_211 : vector<1x1x16xf32> to vector<16xf32>
          %mul3A_213 = arith.constant 4 : i32
          %mul3A_214 = arith.muli %mul3A_213, %scan3A_131 : i32
          %add3A_215 = arith.constant 3 : i32
          %add3A_216 = arith.addi %mul3A_214, %add3A_215 : i32
          %mul3A_217 = arith.constant 16 : i32
          %mul3A_218 = arith.muli %scan3A_176, %mul3A_217 : i32
          %get3A_219 = arith.constant 0 : i32
          %get3A_220 = arith.index_cast %get3A_219 : i32 to index
          %get3A_221 = arith.index_cast %add3A_216 : i32 to index
          %get3A_222 = arith.index_cast %mul3A_218 : i32 to index
          %get3A_223 = tpu.vector_load %arg7[%get3A_220, %get3A_221, %get3A_222] {strides = array<i32>} : memref<2x32x512xf32, #tpu.memory_space<vmem>>, vector<1x1x16xf32>,
          %get3A_224 = vector.shape_cast %get3A_223 : vector<1x1x16xf32> to vector<16xf32>
          %mul3A_225 = arith.mulf %get3A_188, %get3A_200 : vector<16xf32>
          %mul3A_226 = arith.mulf %get3A_212, %get3A_224 : vector<16xf32>
          %mul3A_227 = arith.mulf %mul3A_225, %mul3A_226 : vector<16xf32>
          %add3A_228 = arith.addf %scan3A_177, %mul3A_227 : vector<16xf32>
          %scan3A_229 = arith.constant 1 : i32
          %scan3A_230 = arith.addi %scan3A_176, %scan3A_229 : i32
          %mul3A_231 = arith.constant 4 : i32
          %mul3A_232 = arith.muli %mul3A_231, %scan3A_131 : i32
          %add3A_233 = arith.constant 0 : i32
          %add3A_234 = arith.addi %mul3A_232, %add3A_233 : i32
          %mul3A_235 = arith.constant 16 : i32
          %mul3A_236 = arith.muli %scan3A_230, %mul3A_235 : i32
          %get3A_237 = arith.constant 0 : i32
          %get3A_238 = arith.index_cast %get3A_237 : i32 to index
          %get3A_239 = arith.index_cast %add3A_234 : i32 to index
          %get3A_240 = arith.index_cast %mul3A_236 : i32 to index
          %get3A_241 = tpu.vector_load %arg7[%get3A_238, %get3A_239, %get3A_240] {strides = array<i32>} : memref<2x32x512xf32, #tpu.memory_space<vmem>>, vector<1x1x16xf32>,
          %get3A_242 = vector.shape_cast %get3A_241 : vector<1x1x16xf32> to vector<16xf32>
          %mul3A_243 = arith.constant 4 : i32
          %mul3A_244 = arith.muli %mul3A_243, %scan3A_131 : i32
          %add3A_245 = arith.constant 1 : i32
          %add3A_246 = arith.addi %mul3A_244, %add3A_245 : i32
          %mul3A_247 = arith.constant 16 : i32
          %mul3A_248 = arith.muli %scan3A_230, %mul3A_247 : i32
          %get3A_249 = arith.constant 0 : i32
          %get3A_250 = arith.index_cast %get3A_249 : i32 to index
          %get3A_251 = arith.index_cast %add3A_246 : i32 to index
          %get3A_252 = arith.index_cast %mul3A_248 : i32 to index
          %get3A_253 = tpu.vector_load %arg7[%get3A_250, %get3A_251, %get3A_252] {strides = array<i32>} : memref<2x32x512xf32, #tpu.memory_space<vmem>>, vector<1x1x16xf32>,
          %get3A_254 = vector.shape_cast %get3A_253 : vector<1x1x16xf32> to vector<16xf32>
          %mul3A_255 = arith.constant 4 : i32
          %mul3A_256 = arith.muli %mul3A_255, %scan3A_131 : i32
          %add3A_257 = arith.constant 2 : i32
          %add3A_258 = arith.addi %mul3A_256, %add3A_257 : i32
          %mul3A_259 = arith.constant 16 : i32
          %mul3A_260 = arith.muli %scan3A_230, %mul3A_259 : i32
          %get3A_261 = arith.constant 0 : i32
          %get3A_262 = arith.index_cast %get3A_261 : i32 to index
          %get3A_263 = arith.index_cast %add3A_258 : i32 to index
          %get3A_264 = arith.index_cast %mul3A_260 : i32 to index
          %get3A_265 = tpu.vector_load %arg7[%get3A_262, %get3A_263, %get3A_264] {strides = array<i32>} : memref<2x32x512xf32, #tpu.memory_space<vmem>>, vector<1x1x16xf32>,
          %get3A_266 = vector.shape_cast %get3A_265 : vector<1x1x16xf32> to vector<16xf32>
          %mul3A_267 = arith.constant 4 : i32
          %mul3A_268 = arith.muli %mul3A_267, %scan3A_131 : i32
          %add3A_269 = arith.constant 3 : i32
          %add3A_270 = arith.addi %mul3A_268, %add3A_269 : i32
          %mul3A_271 = arith.constant 16 : i32
          %mul3A_272 = arith.muli %scan3A_230, %mul3A_271 : i32
          %get3A_273 = arith.constant 0 : i32
          %get3A_274 = arith.index_cast %get3A_273 : i32 to index
          %get3A_275 = arith.index_cast %add3A_270 : i32 to index
          %get3A_276 = arith.index_cast %mul3A_272 : i32 to index
          %get3A_277 = tpu.vector_load %arg7[%get3A_274, %get3A_275, %get3A_276] {strides = array<i32>} : memref<2x32x512xf32, #tpu.memory_space<vmem>>, vector<1x1x16xf32>,
          %get3A_278 = vector.shape_cast %get3A_277 : vector<1x1x16xf32> to vector<16xf32>
          %mul3A_279 = arith.mulf %get3A_242, %get3A_254 : vector<16xf32>
          %mul3A_280 = arith.mulf %get3A_266, %get3A_278 : vector<16xf32>
          %mul3A_281 = arith.mulf %mul3A_279, %mul3A_280 : vector<16xf32>
          %add3A_282 = arith.addf %add3A_228, %mul3A_281 : vector<16xf32>
          scf.yield %add3A_282 : vector<16xf32>
        }
        %scan3A_142 = arith.constant 32 : i32
        %xor3A = arith.constant 1 : i32
        %xor3A_143 = vector.broadcast %xor3A : i32 to vector<16xi32>
        %xor3A_144 = arith.xori %iota3A, %xor3A_143 : vector<16xi32>
        %broadcast_in_dim3A_145 = vector.shape_cast %xor3A_144 : vector<16xi32> to vector<16x1xi32>
        %gather3A = vector.shape_cast %broadcast_in_dim3A_145 : vector<16x1xi32> to vector<16xi32>
        %gather3A_146 = tpu.dynamic_gather %scan3A_141[%gather3A] in [0] : vector<16xf32>, vector<16xi32> -> vector<16xf32>
        %add3A_147 = arith.addf %scan3A_141, %gather3A_146 : vector<16xf32>
        %xor3A_148 = arith.constant 2 : i32
        %xor3A_149 = vector.broadcast %xor3A_148 : i32 to vector<16xi32>
        %xor3A_150 = arith.xori %iota3A, %xor3A_149 : vector<16xi32>
        %broadcast_in_dim3A_151 = vector.shape_cast %xor3A_150 : vector<16xi32> to vector<16x1xi32>
        %gather3A_152 = vector.shape_cast %broadcast_in_dim3A_151 : vector<16x1xi32> to vector<16xi32>
        %gather3A_153 = tpu.dynamic_gather %add3A_147[%gather3A_152] in [0] : vector<16xf32>, vector<16xi32> -> vector<16xf32>
        %add3A_154 = arith.addf %add3A_147, %gather3A_153 : vector<16xf32>
        %xor3A_155 = arith.constant 4 : i32
        %xor3A_156 = vector.broadcast %xor3A_155 : i32 to vector<16xi32>
        %xor3A_157 = arith.xori %iota3A, %xor3A_156 : vector<16xi32>
        %broadcast_in_dim3A_158 = vector.shape_cast %xor3A_157 : vector<16xi32> to vector<16x1xi32>
        %gather3A_159 = vector.shape_cast %broadcast_in_dim3A_158 : vector<16x1xi32> to vector<16xi32>
        %gather3A_160 = tpu.dynamic_gather %add3A_154[%gather3A_159] in [0] : vector<16xf32>, vector<16xi32> -> vector<16xf32>
        %add3A_161 = arith.addf %add3A_154, %gather3A_160 : vector<16xf32>
        %xor3A_162 = arith.constant 8 : i32
        %xor3A_163 = vector.broadcast %xor3A_162 : i32 to vector<16xi32>
        %xor3A_164 = arith.xori %iota3A, %xor3A_163 : vector<16xi32>
        %broadcast_in_dim3A_165 = vector.shape_cast %xor3A_164 : vector<16xi32> to vector<16x1xi32>
        %gather3A_166 = vector.shape_cast %broadcast_in_dim3A_165 : vector<16x1xi32> to vector<16xi32>
        %gather3A_167 = tpu.dynamic_gather %add3A_161[%gather3A_166] in [0] : vector<16xf32>, vector<16xi32> -> vector<16xf32>
        %add3A_168 = arith.addf %add3A_161, %gather3A_167 : vector<16xf32>
        %mul3A_169 = arith.constant 0.001953125 : f32
        %mul3A_170 = vector.broadcast %mul3A_169 : f32 to vector<16xf32>
        %mul3A_171 = arith.mulf %add3A_168, %mul3A_170 : vector<16xf32>
        %add3A_172 = arith.addf %scan3A_132, %mul3A_171 : vector<16xf32>
        %mul3A_173 = arith.mulf %mul3A_171, %mul3A_171 : vector<16xf32>
        %add3A_174 = arith.addf %scan3A_133, %mul3A_173 : vector<16xf32>
        %abs3A = math.absf %mul3A_171 : vector<16xf32>
        %add3A_175 = arith.addf %scan3A_134, %abs3A : vector<16xf32>
        scf.yield %add3A_172, %add3A_174, %add3A_175 : vector<16xf32>, vector<16xf32>, vector<16xf32>
      }
      %scan3A_82 = arith.constant 8 : i32
      %mul3A_83 = arith.constant 2 : i32
      %mul3A_84 = arith.muli %mul3A_83, %scan3A_64 : i32
      %add3A_85 = arith.constant 2 : i32
      %add3A_86 = arith.addi %mul3A_84, %add3A_85 : i32
      %lt3A = arith.constant 4 : i32
      %lt3A_87 = arith.cmpi slt, %add3A_86, %lt3A : i32
      %convert_element_type3A = arith.extui %lt3A_87 : i1 to i32
      %cond3A = arith.constant 0 : i32
      %cond3A_88 = arith.cmpi ne, %convert_element_type3A, %cond3A : i32
      scf.if %cond3A_88 {
        %mul3A_131 = arith.constant 2 : i32
        %mul3A_132 = arith.muli %mul3A_131, %scan3A_64 : i32
        %add3A_133 = arith.constant 2 : i32
        %add3A_134 = arith.addi %mul3A_132, %add3A_133 : i32
        %mul3A_135 = arith.constant 32 : i32
        %mul3A_136 = arith.muli %add3A_134, %mul3A_135 : i32
        %add3A_137 = arith.constant 0 : i32
        %add3A_138 = arith.addi %add3A_137, %mul3A_136 : i32
        %dma_start3A_139 = arith.constant 0 : i32
        %dma_start3A_140 = arith.constant 0 : i32
        %dma_start3A_141 = arith.constant 0 : i32
        %dma_start3A_142 = tpu.memref_slice %arg7[%dma_start3A_139, %dma_start3A_140, %dma_start3A_141] : memref<2x32x512xf32, #tpu.memory_space<vmem>> -> memref<1x32x512xf32, #tpu.memory_space<vmem>>
        %dma_start3A_143 = tpu.memref_squeeze %dma_start3A_142 : memref<1x32x512xf32, #tpu.memory_space<vmem>> -> memref<32x512xf32, #tpu.memory_space<vmem>>
        %dma_start3A_144 = tpu.memref_slice %arg6[%add3A_138] : memref<256xi32, #tpu.memory_space<vmem>> -> memref<32xi32, #tpu.memory_space<vmem>>
        %dma_start3A_145 = arith.constant 0 : i32
        %dma_start3A_146 = arith.constant 0 : i32
        %dma_start3A_147 = tpu.memref_slice %arg2[%dma_start3A_145, %dma_start3A_146] : memref<8192x512xf32, #tpu.memory_space<hbm>> -> memref<8192x512xf32, #tpu.memory_space<hbm>>
        tpu.enqueue_indirect_dma source(%dma_start3A_147 : memref<8192x512xf32, #tpu.memory_space<hbm>>) target(%dma_start3A_143 : memref<32x512xf32, #tpu.memory_space<vmem>>) offsets(%dma_start3A_144 : memref<32xi32, #tpu.memory_space<vmem>>) semaphore(%arg9 : memref<!tpu.dma_semaphore, #tpu.memory_space<semaphore_mem>>)
      } else {
      }
      %mul3A_89 = arith.constant 2 : i32
      %mul3A_90 = arith.muli %mul3A_89, %scan3A_64 : i32
      %add3A_91 = arith.constant 2 : i32
      %add3A_92 = arith.addi %mul3A_90, %add3A_91 : i32
      %ge3A = arith.constant 4 : i32
      %ge3A_93 = arith.cmpi sge, %add3A_92, %ge3A : i32
      %convert_element_type3A_94 = arith.extui %ge3A_93 : i1 to i32
      %cond3A_95 = arith.constant 0 : i32
      %cond3A_96 = arith.cmpi ne, %convert_element_type3A_94, %cond3A_95 : i32
      scf.if %cond3A_96 {
        %dma_start3A_131 = arith.constant 0 : i32
        %dma_start3A_132 = arith.constant 0 : i32
        %dma_start3A_133 = arith.constant 0 : i32
        %dma_start3A_134 = tpu.memref_slice %arg7[%dma_start3A_131, %dma_start3A_132, %dma_start3A_133] : memref<2x32x512xf32, #tpu.memory_space<vmem>> -> memref<1x32x512xf32, #tpu.memory_space<vmem>>
        %dma_start3A_135 = tpu.memref_squeeze %dma_start3A_134 : memref<1x32x512xf32, #tpu.memory_space<vmem>> -> memref<32x512xf32, #tpu.memory_space<vmem>>
        %dma_start3A_136 = arith.constant 128 : i32
        %dma_start3A_137 = tpu.memref_slice %arg6[%dma_start3A_136] : memref<256xi32, #tpu.memory_space<vmem>> -> memref<32xi32, #tpu.memory_space<vmem>>
        %dma_start3A_138 = arith.constant 0 : i32
        %dma_start3A_139 = arith.constant 0 : i32
        %dma_start3A_140 = tpu.memref_slice %arg3[%dma_start3A_138, %dma_start3A_139] : memref<8192x512xf32, #tpu.memory_space<hbm>> -> memref<8192x512xf32, #tpu.memory_space<hbm>>
        tpu.enqueue_indirect_dma source(%dma_start3A_140 : memref<8192x512xf32, #tpu.memory_space<hbm>>) target(%dma_start3A_135 : memref<32x512xf32, #tpu.memory_space<vmem>>) offsets(%dma_start3A_137 : memref<32xi32, #tpu.memory_space<vmem>>) semaphore(%arg9 : memref<!tpu.dma_semaphore, #tpu.memory_space<semaphore_mem>>)
      } else {
      }
      %dma_wait3A_97 = arith.constant 1 : i32
      %dma_wait3A_98 = arith.constant 0 : i32
      %dma_wait3A_99 = arith.constant 0 : i32
      %dma_wait3A_100 = tpu.memref_slice %arg7[%dma_wait3A_97, %dma_wait3A_98, %dma_wait3A_99] : memref<2x32x512xf32, #tpu.memory_space<vmem>> -> memref<1x32x512xf32, #tpu.memory_space<vmem>>
      %dma_wait3A_101 = tpu.memref_squeeze %dma_wait3A_100 : memref<1x32x512xf32, #tpu.memory_space<vmem>> -> memref<32x512xf32, #tpu.memory_space<vmem>>
      %dma_wait3A_102 = arith.constant 0 : i32
      %dma_wait3A_103 = tpu.memref_slice %arg6[%dma_wait3A_102] : memref<256xi32, #tpu.memory_space<vmem>> -> memref<32xi32, #tpu.memory_space<vmem>>
      %dma_wait3A_104 = arith.constant 0 : i32
      %dma_wait3A_105 = arith.constant 0 : i32
      %dma_wait3A_106 = tpu.memref_slice %arg2[%dma_wait3A_104, %dma_wait3A_105] : memref<8192x512xf32, #tpu.memory_space<hbm>> -> memref<8192x512xf32, #tpu.memory_space<hbm>>
      tpu.wait_indirect_dma semaphore(%arg10 : memref<!tpu.dma_semaphore, #tpu.memory_space<semaphore_mem>>) src(%dma_wait3A_106 : memref<8192x512xf32, #tpu.memory_space<hbm>>) dst(%dma_wait3A_101 : memref<32x512xf32, #tpu.memory_space<vmem>>)
      %scan3A_107 = arith.constant 0 : i32
      %scan3A_108 = arith.constant 8 : i32
      %scan3A_109 = arith.addi %scan3A_107, %scan3A_108 : i32
      %scan3A_110 = arith.constant 1 : i32
      %scan3A_111:3 = scf.for %scan3A_131 = %scan3A_107 to %scan3A_109 step %scan3A_110 iter_args(%scan3A_132 = %scan3A_81#0, %scan3A_133 = %scan3A_81#1, %scan3A_134 = %scan3A_81#2) -> (vector<16xf32>, vector<16xf32>, vector<16xf32>)  : i32 {
        %broadcast_in_dim3A_135 = arith.constant 0.000000e+00 : f32
        %broadcast_in_dim3A_136 = vector.broadcast %broadcast_in_dim3A_135 : f32 to vector<16xf32>
        %scan3A_137 = arith.constant 0 : i32
        %scan3A_138 = arith.constant 32 : i32
        %scan3A_139 = arith.addi %scan3A_137, %scan3A_138 : i32
        %scan3A_140 = arith.constant 2 : i32
        %scan3A_141 = scf.for %scan3A_176 = %scan3A_137 to %scan3A_139 step %scan3A_140 iter_args(%scan3A_177 = %broadcast_in_dim3A_136) -> (vector<16xf32>)  : i32 {
          %mul3A_178 = arith.constant 4 : i32
          %mul3A_179 = arith.muli %mul3A_178, %scan3A_131 : i32
          %add3A_180 = arith.constant 0 : i32
          %add3A_181 = arith.addi %mul3A_179, %add3A_180 : i32
          %mul3A_182 = arith.constant 16 : i32
          %mul3A_183 = arith.muli %scan3A_176, %mul3A_182 : i32
          %get3A = arith.constant 1 : i32
          %get3A_184 = arith.index_cast %get3A : i32 to index
          %get3A_185 = arith.index_cast %add3A_181 : i32 to index
          %get3A_186 = arith.index_cast %mul3A_183 : i32 to index
          %get3A_187 = tpu.vector_load %arg7[%get3A_184, %get3A_185, %get3A_186] {strides = array<i32>} : memref<2x32x512xf32, #tpu.memory_space<vmem>>, vector<1x1x16xf32>,
          %get3A_188 = vector.shape_cast %get3A_187 : vector<1x1x16xf32> to vector<16xf32>
          %mul3A_189 = arith.constant 4 : i32
          %mul3A_190 = arith.muli %mul3A_189, %scan3A_131 : i32
          %add3A_191 = arith.constant 1 : i32
          %add3A_192 = arith.addi %mul3A_190, %add3A_191 : i32
          %mul3A_193 = arith.constant 16 : i32
          %mul3A_194 = arith.muli %scan3A_176, %mul3A_193 : i32
          %get3A_195 = arith.constant 1 : i32
          %get3A_196 = arith.index_cast %get3A_195 : i32 to index
          %get3A_197 = arith.index_cast %add3A_192 : i32 to index
          %get3A_198 = arith.index_cast %mul3A_194 : i32 to index
          %get3A_199 = tpu.vector_load %arg7[%get3A_196, %get3A_197, %get3A_198] {strides = array<i32>} : memref<2x32x512xf32, #tpu.memory_space<vmem>>, vector<1x1x16xf32>,
          %get3A_200 = vector.shape_cast %get3A_199 : vector<1x1x16xf32> to vector<16xf32>
          %mul3A_201 = arith.constant 4 : i32
          %mul3A_202 = arith.muli %mul3A_201, %scan3A_131 : i32
          %add3A_203 = arith.constant 2 : i32
          %add3A_204 = arith.addi %mul3A_202, %add3A_203 : i32
          %mul3A_205 = arith.constant 16 : i32
          %mul3A_206 = arith.muli %scan3A_176, %mul3A_205 : i32
          %get3A_207 = arith.constant 1 : i32
          %get3A_208 = arith.index_cast %get3A_207 : i32 to index
          %get3A_209 = arith.index_cast %add3A_204 : i32 to index
          %get3A_210 = arith.index_cast %mul3A_206 : i32 to index
          %get3A_211 = tpu.vector_load %arg7[%get3A_208, %get3A_209, %get3A_210] {strides = array<i32>} : memref<2x32x512xf32, #tpu.memory_space<vmem>>, vector<1x1x16xf32>,
          %get3A_212 = vector.shape_cast %get3A_211 : vector<1x1x16xf32> to vector<16xf32>
          %mul3A_213 = arith.constant 4 : i32
          %mul3A_214 = arith.muli %mul3A_213, %scan3A_131 : i32
          %add3A_215 = arith.constant 3 : i32
          %add3A_216 = arith.addi %mul3A_214, %add3A_215 : i32
          %mul3A_217 = arith.constant 16 : i32
          %mul3A_218 = arith.muli %scan3A_176, %mul3A_217 : i32
          %get3A_219 = arith.constant 1 : i32
          %get3A_220 = arith.index_cast %get3A_219 : i32 to index
          %get3A_221 = arith.index_cast %add3A_216 : i32 to index
          %get3A_222 = arith.index_cast %mul3A_218 : i32 to index
          %get3A_223 = tpu.vector_load %arg7[%get3A_220, %get3A_221, %get3A_222] {strides = array<i32>} : memref<2x32x512xf32, #tpu.memory_space<vmem>>, vector<1x1x16xf32>,
          %get3A_224 = vector.shape_cast %get3A_223 : vector<1x1x16xf32> to vector<16xf32>
          %mul3A_225 = arith.mulf %get3A_188, %get3A_200 : vector<16xf32>
          %mul3A_226 = arith.mulf %get3A_212, %get3A_224 : vector<16xf32>
          %mul3A_227 = arith.mulf %mul3A_225, %mul3A_226 : vector<16xf32>
          %add3A_228 = arith.addf %scan3A_177, %mul3A_227 : vector<16xf32>
          %scan3A_229 = arith.constant 1 : i32
          %scan3A_230 = arith.addi %scan3A_176, %scan3A_229 : i32
          %mul3A_231 = arith.constant 4 : i32
          %mul3A_232 = arith.muli %mul3A_231, %scan3A_131 : i32
          %add3A_233 = arith.constant 0 : i32
          %add3A_234 = arith.addi %mul3A_232, %add3A_233 : i32
          %mul3A_235 = arith.constant 16 : i32
          %mul3A_236 = arith.muli %scan3A_230, %mul3A_235 : i32
          %get3A_237 = arith.constant 1 : i32
          %get3A_238 = arith.index_cast %get3A_237 : i32 to index
          %get3A_239 = arith.index_cast %add3A_234 : i32 to index
          %get3A_240 = arith.index_cast %mul3A_236 : i32 to index
          %get3A_241 = tpu.vector_load %arg7[%get3A_238, %get3A_239, %get3A_240] {strides = array<i32>} : memref<2x32x512xf32, #tpu.memory_space<vmem>>, vector<1x1x16xf32>,
          %get3A_242 = vector.shape_cast %get3A_241 : vector<1x1x16xf32> to vector<16xf32>
          %mul3A_243 = arith.constant 4 : i32
          %mul3A_244 = arith.muli %mul3A_243, %scan3A_131 : i32
          %add3A_245 = arith.constant 1 : i32
          %add3A_246 = arith.addi %mul3A_244, %add3A_245 : i32
          %mul3A_247 = arith.constant 16 : i32
          %mul3A_248 = arith.muli %scan3A_230, %mul3A_247 : i32
          %get3A_249 = arith.constant 1 : i32
          %get3A_250 = arith.index_cast %get3A_249 : i32 to index
          %get3A_251 = arith.index_cast %add3A_246 : i32 to index
          %get3A_252 = arith.index_cast %mul3A_248 : i32 to index
          %get3A_253 = tpu.vector_load %arg7[%get3A_250, %get3A_251, %get3A_252] {strides = array<i32>} : memref<2x32x512xf32, #tpu.memory_space<vmem>>, vector<1x1x16xf32>,
          %get3A_254 = vector.shape_cast %get3A_253 : vector<1x1x16xf32> to vector<16xf32>
          %mul3A_255 = arith.constant 4 : i32
          %mul3A_256 = arith.muli %mul3A_255, %scan3A_131 : i32
          %add3A_257 = arith.constant 2 : i32
          %add3A_258 = arith.addi %mul3A_256, %add3A_257 : i32
          %mul3A_259 = arith.constant 16 : i32
          %mul3A_260 = arith.muli %scan3A_230, %mul3A_259 : i32
          %get3A_261 = arith.constant 1 : i32
          %get3A_262 = arith.index_cast %get3A_261 : i32 to index
          %get3A_263 = arith.index_cast %add3A_258 : i32 to index
          %get3A_264 = arith.index_cast %mul3A_260 : i32 to index
          %get3A_265 = tpu.vector_load %arg7[%get3A_262, %get3A_263, %get3A_264] {strides = array<i32>} : memref<2x32x512xf32, #tpu.memory_space<vmem>>, vector<1x1x16xf32>,
          %get3A_266 = vector.shape_cast %get3A_265 : vector<1x1x16xf32> to vector<16xf32>
          %mul3A_267 = arith.constant 4 : i32
          %mul3A_268 = arith.muli %mul3A_267, %scan3A_131 : i32
          %add3A_269 = arith.constant 3 : i32
          %add3A_270 = arith.addi %mul3A_268, %add3A_269 : i32
          %mul3A_271 = arith.constant 16 : i32
          %mul3A_272 = arith.muli %scan3A_230, %mul3A_271 : i32
          %get3A_273 = arith.constant 1 : i32
          %get3A_274 = arith.index_cast %get3A_273 : i32 to index
          %get3A_275 = arith.index_cast %add3A_270 : i32 to index
          %get3A_276 = arith.index_cast %mul3A_272 : i32 to index
          %get3A_277 = tpu.vector_load %arg7[%get3A_274, %get3A_275, %get3A_276] {strides = array<i32>} : memref<2x32x512xf32, #tpu.memory_space<vmem>>, vector<1x1x16xf32>,
          %get3A_278 = vector.shape_cast %get3A_277 : vector<1x1x16xf32> to vector<16xf32>
          %mul3A_279 = arith.mulf %get3A_242, %get3A_254 : vector<16xf32>
          %mul3A_280 = arith.mulf %get3A_266, %get3A_278 : vector<16xf32>
          %mul3A_281 = arith.mulf %mul3A_279, %mul3A_280 : vector<16xf32>
          %add3A_282 = arith.addf %add3A_228, %mul3A_281 : vector<16xf32>
          scf.yield %add3A_282 : vector<16xf32>
        }
        %scan3A_142 = arith.constant 32 : i32
        %xor3A = arith.constant 1 : i32
        %xor3A_143 = vector.broadcast %xor3A : i32 to vector<16xi32>
        %xor3A_144 = arith.xori %iota3A, %xor3A_143 : vector<16xi32>
        %broadcast_in_dim3A_145 = vector.shape_cast %xor3A_144 : vector<16xi32> to vector<16x1xi32>
        %gather3A = vector.shape_cast %broadcast_in_dim3A_145 : vector<16x1xi32> to vector<16xi32>
        %gather3A_146 = tpu.dynamic_gather %scan3A_141[%gather3A] in [0] : vector<16xf32>, vector<16xi32> -> vector<16xf32>
        %add3A_147 = arith.addf %scan3A_141, %gather3A_146 : vector<16xf32>
        %xor3A_148 = arith.constant 2 : i32
        %xor3A_149 = vector.broadcast %xor3A_148 : i32 to vector<16xi32>
        %xor3A_150 = arith.xori %iota3A, %xor3A_149 : vector<16xi32>
        %broadcast_in_dim3A_151 = vector.shape_cast %xor3A_150 : vector<16xi32> to vector<16x1xi32>
        %gather3A_152 = vector.shape_cast %broadcast_in_dim3A_151 : vector<16x1xi32> to vector<16xi32>
        %gather3A_153 = tpu.dynamic_gather %add3A_147[%gather3A_152] in [0] : vector<16xf32>, vector<16xi32> -> vector<16xf32>
        %add3A_154 = arith.addf %add3A_147, %gather3A_153 : vector<16xf32>
        %xor3A_155 = arith.constant 4 : i32
        %xor3A_156 = vector.broadcast %xor3A_155 : i32 to vector<16xi32>
        %xor3A_157 = arith.xori %iota3A, %xor3A_156 : vector<16xi32>
        %broadcast_in_dim3A_158 = vector.shape_cast %xor3A_157 : vector<16xi32> to vector<16x1xi32>
        %gather3A_159 = vector.shape_cast %broadcast_in_dim3A_158 : vector<16x1xi32> to vector<16xi32>
        %gather3A_160 = tpu.dynamic_gather %add3A_154[%gather3A_159] in [0] : vector<16xf32>, vector<16xi32> -> vector<16xf32>
        %add3A_161 = arith.addf %add3A_154, %gather3A_160 : vector<16xf32>
        %xor3A_162 = arith.constant 8 : i32
        %xor3A_163 = vector.broadcast %xor3A_162 : i32 to vector<16xi32>
        %xor3A_164 = arith.xori %iota3A, %xor3A_163 : vector<16xi32>
        %broadcast_in_dim3A_165 = vector.shape_cast %xor3A_164 : vector<16xi32> to vector<16x1xi32>
        %gather3A_166 = vector.shape_cast %broadcast_in_dim3A_165 : vector<16x1xi32> to vector<16xi32>
        %gather3A_167 = tpu.dynamic_gather %add3A_161[%gather3A_166] in [0] : vector<16xf32>, vector<16xi32> -> vector<16xf32>
        %add3A_168 = arith.addf %add3A_161, %gather3A_167 : vector<16xf32>
        %mul3A_169 = arith.constant 0.001953125 : f32
        %mul3A_170 = vector.broadcast %mul3A_169 : f32 to vector<16xf32>
        %mul3A_171 = arith.mulf %add3A_168, %mul3A_170 : vector<16xf32>
        %add3A_172 = arith.addf %scan3A_132, %mul3A_171 : vector<16xf32>
        %mul3A_173 = arith.mulf %mul3A_171, %mul3A_171 : vector<16xf32>
        %add3A_174 = arith.addf %scan3A_133, %mul3A_173 : vector<16xf32>
        %abs3A = math.absf %mul3A_171 : vector<16xf32>
        %add3A_175 = arith.addf %scan3A_134, %abs3A : vector<16xf32>
        scf.yield %add3A_172, %add3A_174, %add3A_175 : vector<16xf32>, vector<16xf32>, vector<16xf32>
      }
      %scan3A_112 = arith.constant 8 : i32
      %mul3A_113 = arith.constant 2 : i32
      %mul3A_114 = arith.muli %mul3A_113, %scan3A_64 : i32
      %add3A_115 = arith.constant 3 : i32
      %add3A_116 = arith.addi %mul3A_114, %add3A_115 : i32
      %lt3A_117 = arith.constant 4 : i32
      %lt3A_118 = arith.cmpi slt, %add3A_116, %lt3A_117 : i32
      %convert_element_type3A_119 = arith.extui %lt3A_118 : i1 to i32
      %cond3A_120 = arith.constant 0 : i32
      %cond3A_121 = arith.cmpi ne, %convert_element_type3A_119, %cond3A_120 : i32
      scf.if %cond3A_121 {
        %mul3A_131 = arith.constant 2 : i32
        %mul3A_132 = arith.muli %mul3A_131, %scan3A_64 : i32
        %add3A_133 = arith.constant 3 : i32
        %add3A_134 = arith.addi %mul3A_132, %add3A_133 : i32
        %mul3A_135 = arith.constant 32 : i32
        %mul3A_136 = arith.muli %add3A_134, %mul3A_135 : i32
        %add3A_137 = arith.constant 0 : i32
        %add3A_138 = arith.addi %add3A_137, %mul3A_136 : i32
        %dma_start3A_139 = arith.constant 1 : i32
        %dma_start3A_140 = arith.constant 0 : i32
        %dma_start3A_141 = arith.constant 0 : i32
        %dma_start3A_142 = tpu.memref_slice %arg7[%dma_start3A_139, %dma_start3A_140, %dma_start3A_141] : memref<2x32x512xf32, #tpu.memory_space<vmem>> -> memref<1x32x512xf32, #tpu.memory_space<vmem>>
        %dma_start3A_143 = tpu.memref_squeeze %dma_start3A_142 : memref<1x32x512xf32, #tpu.memory_space<vmem>> -> memref<32x512xf32, #tpu.memory_space<vmem>>
        %dma_start3A_144 = tpu.memref_slice %arg6[%add3A_138] : memref<256xi32, #tpu.memory_space<vmem>> -> memref<32xi32, #tpu.memory_space<vmem>>
        %dma_start3A_145 = arith.constant 0 : i32
        %dma_start3A_146 = arith.constant 0 : i32
        %dma_start3A_147 = tpu.memref_slice %arg2[%dma_start3A_145, %dma_start3A_146] : memref<8192x512xf32, #tpu.memory_space<hbm>> -> memref<8192x512xf32, #tpu.memory_space<hbm>>
        tpu.enqueue_indirect_dma source(%dma_start3A_147 : memref<8192x512xf32, #tpu.memory_space<hbm>>) target(%dma_start3A_143 : memref<32x512xf32, #tpu.memory_space<vmem>>) offsets(%dma_start3A_144 : memref<32xi32, #tpu.memory_space<vmem>>) semaphore(%arg10 : memref<!tpu.dma_semaphore, #tpu.memory_space<semaphore_mem>>)
      } else {
      }
      %mul3A_122 = arith.constant 2 : i32
      %mul3A_123 = arith.muli %mul3A_122, %scan3A_64 : i32
      %add3A_124 = arith.constant 3 : i32
      %add3A_125 = arith.addi %mul3A_123, %add3A_124 : i32
      %ge3A_126 = arith.constant 4 : i32
      %ge3A_127 = arith.cmpi sge, %add3A_125, %ge3A_126 : i32
      %convert_element_type3A_128 = arith.extui %ge3A_127 : i1 to i32
      %cond3A_129 = arith.constant 0 : i32
      %cond3A_130 = arith.cmpi ne, %convert_element_type3A_128, %cond3A_129 : i32
      scf.if %cond3A_130 {
        %dma_start3A_131 = arith.constant 1 : i32
        %dma_start3A_132 = arith.constant 0 : i32
        %dma_start3A_133 = arith.constant 0 : i32
        %dma_start3A_134 = tpu.memref_slice %arg7[%dma_start3A_131, %dma_start3A_132, %dma_start3A_133] : memref<2x32x512xf32, #tpu.memory_space<vmem>> -> memref<1x32x512xf32, #tpu.memory_space<vmem>>
        %dma_start3A_135 = tpu.memref_squeeze %dma_start3A_134 : memref<1x32x512xf32, #tpu.memory_space<vmem>> -> memref<32x512xf32, #tpu.memory_space<vmem>>
        %dma_start3A_136 = arith.constant 160 : i32
        %dma_start3A_137 = tpu.memref_slice %arg6[%dma_start3A_136] : memref<256xi32, #tpu.memory_space<vmem>> -> memref<32xi32, #tpu.memory_space<vmem>>
        %dma_start3A_138 = arith.constant 0 : i32
        %dma_start3A_139 = arith.constant 0 : i32
        %dma_start3A_140 = tpu.memref_slice %arg3[%dma_start3A_138, %dma_start3A_139] : memref<8192x512xf32, #tpu.memory_space<hbm>> -> memref<8192x512xf32, #tpu.memory_space<hbm>>
        tpu.enqueue_indirect_dma source(%dma_start3A_140 : memref<8192x512xf32, #tpu.memory_space<hbm>>) target(%dma_start3A_135 : memref<32x512xf32, #tpu.memory_space<vmem>>) offsets(%dma_start3A_137 : memref<32xi32, #tpu.memory_space<vmem>>) semaphore(%arg10 : memref<!tpu.dma_semaphore, #tpu.memory_space<semaphore_mem>>)
      } else {
      }
      scf.yield %scan3A_111#0, %scan3A_111#1, %scan3A_111#2 : vector<16xf32>, vector<16xf32>, vector<16xf32>
    }
    %scan3A_25 = arith.constant 2 : i32
    %scan3A_26 = arith.constant 0 : i32
    %scan3A_27 = arith.constant 2 : i32
    %scan3A_28 = arith.addi %scan3A_26, %scan3A_27 : i32
    %scan3A_29 = arith.constant 1 : i32
    %scan3A_30:3 = scf.for %scan3A_64 = %scan3A_26 to %scan3A_28 step %scan3A_29 iter_args(%scan3A_65 = %broadcast_in_dim3A_1, %scan3A_66 = %broadcast_in_dim3A_1, %scan3A_67 = %broadcast_in_dim3A_1) -> (vector<16xf32>, vector<16xf32>, vector<16xf32>)  : i32 {
      %dma_wait3A = arith.constant 0 : i32
      %dma_wait3A_68 = arith.constant 0 : i32
      %dma_wait3A_69 = arith.constant 0 : i32
      %dma_wait3A_70 = tpu.memref_slice %arg7[%dma_wait3A, %dma_wait3A_68, %dma_wait3A_69] : memref<2x32x512xf32, #tpu.memory_space<vmem>> -> memref<1x32x512xf32, #tpu.memory_space<vmem>>
      %dma_wait3A_71 = tpu.memref_squeeze %dma_wait3A_70 : memref<1x32x512xf32, #tpu.memory_space<vmem>> -> memref<32x512xf32, #tpu.memory_space<vmem>>
      %dma_wait3A_72 = arith.constant 128 : i32
      %dma_wait3A_73 = tpu.memref_slice %arg6[%dma_wait3A_72] : memref<256xi32, #tpu.memory_space<vmem>> -> memref<32xi32, #tpu.memory_space<vmem>>
      %dma_wait3A_74 = arith.constant 0 : i32
      %dma_wait3A_75 = arith.constant 0 : i32
      %dma_wait3A_76 = tpu.memref_slice %arg3[%dma_wait3A_74, %dma_wait3A_75] : memref<8192x512xf32, #tpu.memory_space<hbm>> -> memref<8192x512xf32, #tpu.memory_space<hbm>>
      tpu.wait_indirect_dma semaphore(%arg9 : memref<!tpu.dma_semaphore, #tpu.memory_space<semaphore_mem>>) src(%dma_wait3A_76 : memref<8192x512xf32, #tpu.memory_space<hbm>>) dst(%dma_wait3A_71 : memref<32x512xf32, #tpu.memory_space<vmem>>)
      %scan3A_77 = arith.constant 0 : i32
      %scan3A_78 = arith.constant 8 : i32
      %scan3A_79 = arith.addi %scan3A_77, %scan3A_78 : i32
      %scan3A_80 = arith.constant 1 : i32
      %scan3A_81:3 = scf.for %scan3A_114 = %scan3A_77 to %scan3A_79 step %scan3A_80 iter_args(%scan3A_115 = %scan3A_65, %scan3A_116 = %scan3A_66, %scan3A_117 = %scan3A_67) -> (vector<16xf32>, vector<16xf32>, vector<16xf32>)  : i32 {
        %broadcast_in_dim3A_118 = arith.constant 0.000000e+00 : f32
        %broadcast_in_dim3A_119 = vector.broadcast %broadcast_in_dim3A_118 : f32 to vector<16xf32>
        %scan3A_120 = arith.constant 0 : i32
        %scan3A_121 = arith.constant 32 : i32
        %scan3A_122 = arith.addi %scan3A_120, %scan3A_121 : i32
        %scan3A_123 = arith.constant 2 : i32
        %scan3A_124 = scf.for %scan3A_159 = %scan3A_120 to %scan3A_122 step %scan3A_123 iter_args(%scan3A_160 = %broadcast_in_dim3A_119) -> (vector<16xf32>)  : i32 {
          %mul3A_161 = arith.constant 4 : i32
          %mul3A_162 = arith.muli %mul3A_161, %scan3A_114 : i32
          %add3A_163 = arith.constant 0 : i32
          %add3A_164 = arith.addi %mul3A_162, %add3A_163 : i32
          %mul3A_165 = arith.constant 16 : i32
          %mul3A_166 = arith.muli %scan3A_159, %mul3A_165 : i32
          %get3A = arith.constant 0 : i32
          %get3A_167 = arith.index_cast %get3A : i32 to index
          %get3A_168 = arith.index_cast %add3A_164 : i32 to index
          %get3A_169 = arith.index_cast %mul3A_166 : i32 to index
          %get3A_170 = tpu.vector_load %arg7[%get3A_167, %get3A_168, %get3A_169] {strides = array<i32>} : memref<2x32x512xf32, #tpu.memory_space<vmem>>, vector<1x1x16xf32>,
          %get3A_171 = vector.shape_cast %get3A_170 : vector<1x1x16xf32> to vector<16xf32>
          %mul3A_172 = arith.constant 4 : i32
          %mul3A_173 = arith.muli %mul3A_172, %scan3A_114 : i32
          %add3A_174 = arith.constant 1 : i32
          %add3A_175 = arith.addi %mul3A_173, %add3A_174 : i32
          %mul3A_176 = arith.constant 16 : i32
          %mul3A_177 = arith.muli %scan3A_159, %mul3A_176 : i32
          %get3A_178 = arith.constant 0 : i32
          %get3A_179 = arith.index_cast %get3A_178 : i32 to index
          %get3A_180 = arith.index_cast %add3A_175 : i32 to index
          %get3A_181 = arith.index_cast %mul3A_177 : i32 to index
          %get3A_182 = tpu.vector_load %arg7[%get3A_179, %get3A_180, %get3A_181] {strides = array<i32>} : memref<2x32x512xf32, #tpu.memory_space<vmem>>, vector<1x1x16xf32>,
          %get3A_183 = vector.shape_cast %get3A_182 : vector<1x1x16xf32> to vector<16xf32>
          %mul3A_184 = arith.constant 4 : i32
          %mul3A_185 = arith.muli %mul3A_184, %scan3A_114 : i32
          %add3A_186 = arith.constant 2 : i32
          %add3A_187 = arith.addi %mul3A_185, %add3A_186 : i32
          %mul3A_188 = arith.constant 16 : i32
          %mul3A_189 = arith.muli %scan3A_159, %mul3A_188 : i32
          %get3A_190 = arith.constant 0 : i32
          %get3A_191 = arith.index_cast %get3A_190 : i32 to index
          %get3A_192 = arith.index_cast %add3A_187 : i32 to index
          %get3A_193 = arith.index_cast %mul3A_189 : i32 to index
          %get3A_194 = tpu.vector_load %arg7[%get3A_191, %get3A_192, %get3A_193] {strides = array<i32>} : memref<2x32x512xf32, #tpu.memory_space<vmem>>, vector<1x1x16xf32>,
          %get3A_195 = vector.shape_cast %get3A_194 : vector<1x1x16xf32> to vector<16xf32>
          %mul3A_196 = arith.constant 4 : i32
          %mul3A_197 = arith.muli %mul3A_196, %scan3A_114 : i32
          %add3A_198 = arith.constant 3 : i32
          %add3A_199 = arith.addi %mul3A_197, %add3A_198 : i32
          %mul3A_200 = arith.constant 16 : i32
          %mul3A_201 = arith.muli %scan3A_159, %mul3A_200 : i32
          %get3A_202 = arith.constant 0 : i32
          %get3A_203 = arith.index_cast %get3A_202 : i32 to index
          %get3A_204 = arith.index_cast %add3A_199 : i32 to index
          %get3A_205 = arith.index_cast %mul3A_201 : i32 to index
          %get3A_206 = tpu.vector_load %arg7[%get3A_203, %get3A_204, %get3A_205] {strides = array<i32>} : memref<2x32x512xf32, #tpu.memory_space<vmem>>, vector<1x1x16xf32>,
          %get3A_207 = vector.shape_cast %get3A_206 : vector<1x1x16xf32> to vector<16xf32>
          %mul3A_208 = arith.mulf %get3A_171, %get3A_183 : vector<16xf32>
          %mul3A_209 = arith.mulf %get3A_195, %get3A_207 : vector<16xf32>
          %mul3A_210 = arith.mulf %mul3A_208, %mul3A_209 : vector<16xf32>
          %add3A_211 = arith.addf %scan3A_160, %mul3A_210 : vector<16xf32>
          %scan3A_212 = arith.constant 1 : i32
          %scan3A_213 = arith.addi %scan3A_159, %scan3A_212 : i32
          %mul3A_214 = arith.constant 4 : i32
          %mul3A_215 = arith.muli %mul3A_214, %scan3A_114 : i32
          %add3A_216 = arith.constant 0 : i32
          %add3A_217 = arith.addi %mul3A_215, %add3A_216 : i32
          %mul3A_218 = arith.constant 16 : i32
          %mul3A_219 = arith.muli %scan3A_213, %mul3A_218 : i32
          %get3A_220 = arith.constant 0 : i32
          %get3A_221 = arith.index_cast %get3A_220 : i32 to index
          %get3A_222 = arith.index_cast %add3A_217 : i32 to index
          %get3A_223 = arith.index_cast %mul3A_219 : i32 to index
          %get3A_224 = tpu.vector_load %arg7[%get3A_221, %get3A_222, %get3A_223] {strides = array<i32>} : memref<2x32x512xf32, #tpu.memory_space<vmem>>, vector<1x1x16xf32>,
          %get3A_225 = vector.shape_cast %get3A_224 : vector<1x1x16xf32> to vector<16xf32>
          %mul3A_226 = arith.constant 4 : i32
          %mul3A_227 = arith.muli %mul3A_226, %scan3A_114 : i32
          %add3A_228 = arith.constant 1 : i32
          %add3A_229 = arith.addi %mul3A_227, %add3A_228 : i32
          %mul3A_230 = arith.constant 16 : i32
          %mul3A_231 = arith.muli %scan3A_213, %mul3A_230 : i32
          %get3A_232 = arith.constant 0 : i32
          %get3A_233 = arith.index_cast %get3A_232 : i32 to index
          %get3A_234 = arith.index_cast %add3A_229 : i32 to index
          %get3A_235 = arith.index_cast %mul3A_231 : i32 to index
          %get3A_236 = tpu.vector_load %arg7[%get3A_233, %get3A_234, %get3A_235] {strides = array<i32>} : memref<2x32x512xf32, #tpu.memory_space<vmem>>, vector<1x1x16xf32>,
          %get3A_237 = vector.shape_cast %get3A_236 : vector<1x1x16xf32> to vector<16xf32>
          %mul3A_238 = arith.constant 4 : i32
          %mul3A_239 = arith.muli %mul3A_238, %scan3A_114 : i32
          %add3A_240 = arith.constant 2 : i32
          %add3A_241 = arith.addi %mul3A_239, %add3A_240 : i32
          %mul3A_242 = arith.constant 16 : i32
          %mul3A_243 = arith.muli %scan3A_213, %mul3A_242 : i32
          %get3A_244 = arith.constant 0 : i32
          %get3A_245 = arith.index_cast %get3A_244 : i32 to index
          %get3A_246 = arith.index_cast %add3A_241 : i32 to index
          %get3A_247 = arith.index_cast %mul3A_243 : i32 to index
          %get3A_248 = tpu.vector_load %arg7[%get3A_245, %get3A_246, %get3A_247] {strides = array<i32>} : memref<2x32x512xf32, #tpu.memory_space<vmem>>, vector<1x1x16xf32>,
          %get3A_249 = vector.shape_cast %get3A_248 : vector<1x1x16xf32> to vector<16xf32>
          %mul3A_250 = arith.constant 4 : i32
          %mul3A_251 = arith.muli %mul3A_250, %scan3A_114 : i32
          %add3A_252 = arith.constant 3 : i32
          %add3A_253 = arith.addi %mul3A_251, %add3A_252 : i32
          %mul3A_254 = arith.constant 16 : i32
          %mul3A_255 = arith.muli %scan3A_213, %mul3A_254 : i32
          %get3A_256 = arith.constant 0 : i32
          %get3A_257 = arith.index_cast %get3A_256 : i32 to index
          %get3A_258 = arith.index_cast %add3A_253 : i32 to index
          %get3A_259 = arith.index_cast %mul3A_255 : i32 to index
          %get3A_260 = tpu.vector_load %arg7[%get3A_257, %get3A_258, %get3A_259] {strides = array<i32>} : memref<2x32x512xf32, #tpu.memory_space<vmem>>, vector<1x1x16xf32>,
          %get3A_261 = vector.shape_cast %get3A_260 : vector<1x1x16xf32> to vector<16xf32>
          %mul3A_262 = arith.mulf %get3A_225, %get3A_237 : vector<16xf32>
          %mul3A_263 = arith.mulf %get3A_249, %get3A_261 : vector<16xf32>
          %mul3A_264 = arith.mulf %mul3A_262, %mul3A_263 : vector<16xf32>
          %add3A_265 = arith.addf %add3A_211, %mul3A_264 : vector<16xf32>
          scf.yield %add3A_265 : vector<16xf32>
        }
        %scan3A_125 = arith.constant 32 : i32
        %xor3A = arith.constant 1 : i32
        %xor3A_126 = vector.broadcast %xor3A : i32 to vector<16xi32>
        %xor3A_127 = arith.xori %iota3A, %xor3A_126 : vector<16xi32>
        %broadcast_in_dim3A_128 = vector.shape_cast %xor3A_127 : vector<16xi32> to vector<16x1xi32>
        %gather3A = vector.shape_cast %broadcast_in_dim3A_128 : vector<16x1xi32> to vector<16xi32>
        %gather3A_129 = tpu.dynamic_gather %scan3A_124[%gather3A] in [0] : vector<16xf32>, vector<16xi32> -> vector<16xf32>
        %add3A_130 = arith.addf %scan3A_124, %gather3A_129 : vector<16xf32>
        %xor3A_131 = arith.constant 2 : i32
        %xor3A_132 = vector.broadcast %xor3A_131 : i32 to vector<16xi32>
        %xor3A_133 = arith.xori %iota3A, %xor3A_132 : vector<16xi32>
        %broadcast_in_dim3A_134 = vector.shape_cast %xor3A_133 : vector<16xi32> to vector<16x1xi32>
        %gather3A_135 = vector.shape_cast %broadcast_in_dim3A_134 : vector<16x1xi32> to vector<16xi32>
        %gather3A_136 = tpu.dynamic_gather %add3A_130[%gather3A_135] in [0] : vector<16xf32>, vector<16xi32> -> vector<16xf32>
        %add3A_137 = arith.addf %add3A_130, %gather3A_136 : vector<16xf32>
        %xor3A_138 = arith.constant 4 : i32
        %xor3A_139 = vector.broadcast %xor3A_138 : i32 to vector<16xi32>
        %xor3A_140 = arith.xori %iota3A, %xor3A_139 : vector<16xi32>
        %broadcast_in_dim3A_141 = vector.shape_cast %xor3A_140 : vector<16xi32> to vector<16x1xi32>
        %gather3A_142 = vector.shape_cast %broadcast_in_dim3A_141 : vector<16x1xi32> to vector<16xi32>
        %gather3A_143 = tpu.dynamic_gather %add3A_137[%gather3A_142] in [0] : vector<16xf32>, vector<16xi32> -> vector<16xf32>
        %add3A_144 = arith.addf %add3A_137, %gather3A_143 : vector<16xf32>
        %xor3A_145 = arith.constant 8 : i32
        %xor3A_146 = vector.broadcast %xor3A_145 : i32 to vector<16xi32>
        %xor3A_147 = arith.xori %iota3A, %xor3A_146 : vector<16xi32>
        %broadcast_in_dim3A_148 = vector.shape_cast %xor3A_147 : vector<16xi32> to vector<16x1xi32>
        %gather3A_149 = vector.shape_cast %broadcast_in_dim3A_148 : vector<16x1xi32> to vector<16xi32>
        %gather3A_150 = tpu.dynamic_gather %add3A_144[%gather3A_149] in [0] : vector<16xf32>, vector<16xi32> -> vector<16xf32>
        %add3A_151 = arith.addf %add3A_144, %gather3A_150 : vector<16xf32>
        %mul3A_152 = arith.constant 0.001953125 : f32
        %mul3A_153 = vector.broadcast %mul3A_152 : f32 to vector<16xf32>
        %mul3A_154 = arith.mulf %add3A_151, %mul3A_153 : vector<16xf32>
        %add3A_155 = arith.addf %scan3A_115, %mul3A_154 : vector<16xf32>
        %mul3A_156 = arith.mulf %mul3A_154, %mul3A_154 : vector<16xf32>
        %add3A_157 = arith.addf %scan3A_116, %mul3A_156 : vector<16xf32>
        %abs3A = math.absf %mul3A_154 : vector<16xf32>
        %add3A_158 = arith.addf %scan3A_117, %abs3A : vector<16xf32>
        scf.yield %add3A_155, %add3A_157, %add3A_158 : vector<16xf32>, vector<16xf32>, vector<16xf32>
      }
      %scan3A_82 = arith.constant 8 : i32
      %mul3A_83 = arith.constant 2 : i32
      %mul3A_84 = arith.muli %mul3A_83, %scan3A_64 : i32
      %add3A_85 = arith.constant 2 : i32
      %add3A_86 = arith.addi %mul3A_84, %add3A_85 : i32
      %lt3A = arith.constant 4 : i32
      %lt3A_87 = arith.cmpi slt, %add3A_86, %lt3A : i32
      %convert_element_type3A = arith.extui %lt3A_87 : i1 to i32
      %cond3A = arith.constant 0 : i32
      %cond3A_88 = arith.cmpi ne, %convert_element_type3A, %cond3A : i32
      scf.if %cond3A_88 {
        %mul3A_114 = arith.constant 2 : i32
        %mul3A_115 = arith.muli %mul3A_114, %scan3A_64 : i32
        %add3A_116 = arith.constant 2 : i32
        %add3A_117 = arith.addi %mul3A_115, %add3A_116 : i32
        %mul3A_118 = arith.constant 32 : i32
        %mul3A_119 = arith.muli %add3A_117, %mul3A_118 : i32
        %add3A_120 = arith.constant 128 : i32
        %add3A_121 = arith.addi %add3A_120, %mul3A_119 : i32
        %dma_start3A_122 = arith.constant 0 : i32
        %dma_start3A_123 = arith.constant 0 : i32
        %dma_start3A_124 = arith.constant 0 : i32
        %dma_start3A_125 = tpu.memref_slice %arg7[%dma_start3A_122, %dma_start3A_123, %dma_start3A_124] : memref<2x32x512xf32, #tpu.memory_space<vmem>> -> memref<1x32x512xf32, #tpu.memory_space<vmem>>
        %dma_start3A_126 = tpu.memref_squeeze %dma_start3A_125 : memref<1x32x512xf32, #tpu.memory_space<vmem>> -> memref<32x512xf32, #tpu.memory_space<vmem>>
        %dma_start3A_127 = tpu.memref_slice %arg6[%add3A_121] : memref<256xi32, #tpu.memory_space<vmem>> -> memref<32xi32, #tpu.memory_space<vmem>>
        %dma_start3A_128 = arith.constant 0 : i32
        %dma_start3A_129 = arith.constant 0 : i32
        %dma_start3A_130 = tpu.memref_slice %arg3[%dma_start3A_128, %dma_start3A_129] : memref<8192x512xf32, #tpu.memory_space<hbm>> -> memref<8192x512xf32, #tpu.memory_space<hbm>>
        tpu.enqueue_indirect_dma source(%dma_start3A_130 : memref<8192x512xf32, #tpu.memory_space<hbm>>) target(%dma_start3A_126 : memref<32x512xf32, #tpu.memory_space<vmem>>) offsets(%dma_start3A_127 : memref<32xi32, #tpu.memory_space<vmem>>) semaphore(%arg9 : memref<!tpu.dma_semaphore, #tpu.memory_space<semaphore_mem>>)
      } else {
      }
      %dma_wait3A_89 = arith.constant 1 : i32
      %dma_wait3A_90 = arith.constant 0 : i32
      %dma_wait3A_91 = arith.constant 0 : i32
      %dma_wait3A_92 = tpu.memref_slice %arg7[%dma_wait3A_89, %dma_wait3A_90, %dma_wait3A_91] : memref<2x32x512xf32, #tpu.memory_space<vmem>> -> memref<1x32x512xf32, #tpu.memory_space<vmem>>
      %dma_wait3A_93 = tpu.memref_squeeze %dma_wait3A_92 : memref<1x32x512xf32, #tpu.memory_space<vmem>> -> memref<32x512xf32, #tpu.memory_space<vmem>>
      %dma_wait3A_94 = arith.constant 128 : i32
      %dma_wait3A_95 = tpu.memref_slice %arg6[%dma_wait3A_94] : memref<256xi32, #tpu.memory_space<vmem>> -> memref<32xi32, #tpu.memory_space<vmem>>
      %dma_wait3A_96 = arith.constant 0 : i32
      %dma_wait3A_97 = arith.constant 0 : i32
      %dma_wait3A_98 = tpu.memref_slice %arg3[%dma_wait3A_96, %dma_wait3A_97] : memref<8192x512xf32, #tpu.memory_space<hbm>> -> memref<8192x512xf32, #tpu.memory_space<hbm>>
      tpu.wait_indirect_dma semaphore(%arg10 : memref<!tpu.dma_semaphore, #tpu.memory_space<semaphore_mem>>) src(%dma_wait3A_98 : memref<8192x512xf32, #tpu.memory_space<hbm>>) dst(%dma_wait3A_93 : memref<32x512xf32, #tpu.memory_space<vmem>>)
      %scan3A_99 = arith.constant 0 : i32
      %scan3A_100 = arith.constant 8 : i32
      %scan3A_101 = arith.addi %scan3A_99, %scan3A_100 : i32
      %scan3A_102 = arith.constant 1 : i32
      %scan3A_103:3 = scf.for %scan3A_114 = %scan3A_99 to %scan3A_101 step %scan3A_102 iter_args(%scan3A_115 = %scan3A_81#0, %scan3A_116 = %scan3A_81#1, %scan3A_117 = %scan3A_81#2) -> (vector<16xf32>, vector<16xf32>, vector<16xf32>)  : i32 {
        %broadcast_in_dim3A_118 = arith.constant 0.000000e+00 : f32
        %broadcast_in_dim3A_119 = vector.broadcast %broadcast_in_dim3A_118 : f32 to vector<16xf32>
        %scan3A_120 = arith.constant 0 : i32
        %scan3A_121 = arith.constant 32 : i32
        %scan3A_122 = arith.addi %scan3A_120, %scan3A_121 : i32
        %scan3A_123 = arith.constant 2 : i32
        %scan3A_124 = scf.for %scan3A_159 = %scan3A_120 to %scan3A_122 step %scan3A_123 iter_args(%scan3A_160 = %broadcast_in_dim3A_119) -> (vector<16xf32>)  : i32 {
          %mul3A_161 = arith.constant 4 : i32
          %mul3A_162 = arith.muli %mul3A_161, %scan3A_114 : i32
          %add3A_163 = arith.constant 0 : i32
          %add3A_164 = arith.addi %mul3A_162, %add3A_163 : i32
          %mul3A_165 = arith.constant 16 : i32
          %mul3A_166 = arith.muli %scan3A_159, %mul3A_165 : i32
          %get3A = arith.constant 1 : i32
          %get3A_167 = arith.index_cast %get3A : i32 to index
          %get3A_168 = arith.index_cast %add3A_164 : i32 to index
          %get3A_169 = arith.index_cast %mul3A_166 : i32 to index
          %get3A_170 = tpu.vector_load %arg7[%get3A_167, %get3A_168, %get3A_169] {strides = array<i32>} : memref<2x32x512xf32, #tpu.memory_space<vmem>>, vector<1x1x16xf32>,
          %get3A_171 = vector.shape_cast %get3A_170 : vector<1x1x16xf32> to vector<16xf32>
          %mul3A_172 = arith.constant 4 : i32
          %mul3A_173 = arith.muli %mul3A_172, %scan3A_114 : i32
          %add3A_174 = arith.constant 1 : i32
          %add3A_175 = arith.addi %mul3A_173, %add3A_174 : i32
          %mul3A_176 = arith.constant 16 : i32
          %mul3A_177 = arith.muli %scan3A_159, %mul3A_176 : i32
          %get3A_178 = arith.constant 1 : i32
          %get3A_179 = arith.index_cast %get3A_178 : i32 to index
          %get3A_180 = arith.index_cast %add3A_175 : i32 to index
          %get3A_181 = arith.index_cast %mul3A_177 : i32 to index
          %get3A_182 = tpu.vector_load %arg7[%get3A_179, %get3A_180, %get3A_181] {strides = array<i32>} : memref<2x32x512xf32, #tpu.memory_space<vmem>>, vector<1x1x16xf32>,
          %get3A_183 = vector.shape_cast %get3A_182 : vector<1x1x16xf32> to vector<16xf32>
          %mul3A_184 = arith.constant 4 : i32
          %mul3A_185 = arith.muli %mul3A_184, %scan3A_114 : i32
          %add3A_186 = arith.constant 2 : i32
          %add3A_187 = arith.addi %mul3A_185, %add3A_186 : i32
          %mul3A_188 = arith.constant 16 : i32
          %mul3A_189 = arith.muli %scan3A_159, %mul3A_188 : i32
          %get3A_190 = arith.constant 1 : i32
          %get3A_191 = arith.index_cast %get3A_190 : i32 to index
          %get3A_192 = arith.index_cast %add3A_187 : i32 to index
          %get3A_193 = arith.index_cast %mul3A_189 : i32 to index
          %get3A_194 = tpu.vector_load %arg7[%get3A_191, %get3A_192, %get3A_193] {strides = array<i32>} : memref<2x32x512xf32, #tpu.memory_space<vmem>>, vector<1x1x16xf32>,
          %get3A_195 = vector.shape_cast %get3A_194 : vector<1x1x16xf32> to vector<16xf32>
          %mul3A_196 = arith.constant 4 : i32
          %mul3A_197 = arith.muli %mul3A_196, %scan3A_114 : i32
          %add3A_198 = arith.constant 3 : i32
          %add3A_199 = arith.addi %mul3A_197, %add3A_198 : i32
          %mul3A_200 = arith.constant 16 : i32
          %mul3A_201 = arith.muli %scan3A_159, %mul3A_200 : i32
          %get3A_202 = arith.constant 1 : i32
          %get3A_203 = arith.index_cast %get3A_202 : i32 to index
          %get3A_204 = arith.index_cast %add3A_199 : i32 to index
          %get3A_205 = arith.index_cast %mul3A_201 : i32 to index
          %get3A_206 = tpu.vector_load %arg7[%get3A_203, %get3A_204, %get3A_205] {strides = array<i32>} : memref<2x32x512xf32, #tpu.memory_space<vmem>>, vector<1x1x16xf32>,
          %get3A_207 = vector.shape_cast %get3A_206 : vector<1x1x16xf32> to vector<16xf32>
          %mul3A_208 = arith.mulf %get3A_171, %get3A_183 : vector<16xf32>
          %mul3A_209 = arith.mulf %get3A_195, %get3A_207 : vector<16xf32>
          %mul3A_210 = arith.mulf %mul3A_208, %mul3A_209 : vector<16xf32>
          %add3A_211 = arith.addf %scan3A_160, %mul3A_210 : vector<16xf32>
          %scan3A_212 = arith.constant 1 : i32
          %scan3A_213 = arith.addi %scan3A_159, %scan3A_212 : i32
          %mul3A_214 = arith.constant 4 : i32
          %mul3A_215 = arith.muli %mul3A_214, %scan3A_114 : i32
          %add3A_216 = arith.constant 0 : i32
          %add3A_217 = arith.addi %mul3A_215, %add3A_216 : i32
          %mul3A_218 = arith.constant 16 : i32
          %mul3A_219 = arith.muli %scan3A_213, %mul3A_218 : i32
          %get3A_220 = arith.constant 1 : i32
          %get3A_221 = arith.index_cast %get3A_220 : i32 to index
          %get3A_222 = arith.index_cast %add3A_217 : i32 to index
          %get3A_223 = arith.index_cast %mul3A_219 : i32 to index
          %get3A_224 = tpu.vector_load %arg7[%get3A_221, %get3A_222, %get3A_223] {strides = array<i32>} : memref<2x32x512xf32, #tpu.memory_space<vmem>>, vector<1x1x16xf32>,
          %get3A_225 = vector.shape_cast %get3A_224 : vector<1x1x16xf32> to vector<16xf32>
          %mul3A_226 = arith.constant 4 : i32
          %mul3A_227 = arith.muli %mul3A_226, %scan3A_114 : i32
          %add3A_228 = arith.constant 1 : i32
          %add3A_229 = arith.addi %mul3A_227, %add3A_228 : i32
          %mul3A_230 = arith.constant 16 : i32
          %mul3A_231 = arith.muli %scan3A_213, %mul3A_230 : i32
          %get3A_232 = arith.constant 1 : i32
          %get3A_233 = arith.index_cast %get3A_232 : i32 to index
          %get3A_234 = arith.index_cast %add3A_229 : i32 to index
          %get3A_235 = arith.index_cast %mul3A_231 : i32 to index
          %get3A_236 = tpu.vector_load %arg7[%get3A_233, %get3A_234, %get3A_235] {strides = array<i32>} : memref<2x32x512xf32, #tpu.memory_space<vmem>>, vector<1x1x16xf32>,
          %get3A_237 = vector.shape_cast %get3A_236 : vector<1x1x16xf32> to vector<16xf32>
          %mul3A_238 = arith.constant 4 : i32
          %mul3A_239 = arith.muli %mul3A_238, %scan3A_114 : i32
          %add3A_240 = arith.constant 2 : i32
          %add3A_241 = arith.addi %mul3A_239, %add3A_240 : i32
          %mul3A_242 = arith.constant 16 : i32
          %mul3A_243 = arith.muli %scan3A_213, %mul3A_242 : i32
          %get3A_244 = arith.constant 1 : i32
          %get3A_245 = arith.index_cast %get3A_244 : i32 to index
          %get3A_246 = arith.index_cast %add3A_241 : i32 to index
          %get3A_247 = arith.index_cast %mul3A_243 : i32 to index
          %get3A_248 = tpu.vector_load %arg7[%get3A_245, %get3A_246, %get3A_247] {strides = array<i32>} : memref<2x32x512xf32, #tpu.memory_space<vmem>>, vector<1x1x16xf32>,
          %get3A_249 = vector.shape_cast %get3A_248 : vector<1x1x16xf32> to vector<16xf32>
          %mul3A_250 = arith.constant 4 : i32
          %mul3A_251 = arith.muli %mul3A_250, %scan3A_114 : i32
          %add3A_252 = arith.constant 3 : i32
          %add3A_253 = arith.addi %mul3A_251, %add3A_252 : i32
          %mul3A_254 = arith.constant 16 : i32
          %mul3A_255 = arith.muli %scan3A_213, %mul3A_254 : i32
          %get3A_256 = arith.constant 1 : i32
          %get3A_257 = arith.index_cast %get3A_256 : i32 to index
          %get3A_258 = arith.index_cast %add3A_253 : i32 to index
          %get3A_259 = arith.index_cast %mul3A_255 : i32 to index
          %get3A_260 = tpu.vector_load %arg7[%get3A_257, %get3A_258, %get3A_259] {strides = array<i32>} : memref<2x32x512xf32, #tpu.memory_space<vmem>>, vector<1x1x16xf32>,
          %get3A_261 = vector.shape_cast %get3A_260 : vector<1x1x16xf32> to vector<16xf32>
          %mul3A_262 = arith.mulf %get3A_225, %get3A_237 : vector<16xf32>
          %mul3A_263 = arith.mulf %get3A_249, %get3A_261 : vector<16xf32>
          %mul3A_264 = arith.mulf %mul3A_262, %mul3A_263 : vector<16xf32>
          %add3A_265 = arith.addf %add3A_211, %mul3A_264 : vector<16xf32>
          scf.yield %add3A_265 : vector<16xf32>
        }
        %scan3A_125 = arith.constant 32 : i32
        %xor3A = arith.constant 1 : i32
        %xor3A_126 = vector.broadcast %xor3A : i32 to vector<16xi32>
        %xor3A_127 = arith.xori %iota3A, %xor3A_126 : vector<16xi32>
        %broadcast_in_dim3A_128 = vector.shape_cast %xor3A_127 : vector<16xi32> to vector<16x1xi32>
        %gather3A = vector.shape_cast %broadcast_in_dim3A_128 : vector<16x1xi32> to vector<16xi32>
        %gather3A_129 = tpu.dynamic_gather %scan3A_124[%gather3A] in [0] : vector<16xf32>, vector<16xi32> -> vector<16xf32>
        %add3A_130 = arith.addf %scan3A_124, %gather3A_129 : vector<16xf32>
        %xor3A_131 = arith.constant 2 : i32
        %xor3A_132 = vector.broadcast %xor3A_131 : i32 to vector<16xi32>
        %xor3A_133 = arith.xori %iota3A, %xor3A_132 : vector<16xi32>
        %broadcast_in_dim3A_134 = vector.shape_cast %xor3A_133 : vector<16xi32> to vector<16x1xi32>
        %gather3A_135 = vector.shape_cast %broadcast_in_dim3A_134 : vector<16x1xi32> to vector<16xi32>
        %gather3A_136 = tpu.dynamic_gather %add3A_130[%gather3A_135] in [0] : vector<16xf32>, vector<16xi32> -> vector<16xf32>
        %add3A_137 = arith.addf %add3A_130, %gather3A_136 : vector<16xf32>
        %xor3A_138 = arith.constant 4 : i32
        %xor3A_139 = vector.broadcast %xor3A_138 : i32 to vector<16xi32>
        %xor3A_140 = arith.xori %iota3A, %xor3A_139 : vector<16xi32>
        %broadcast_in_dim3A_141 = vector.shape_cast %xor3A_140 : vector<16xi32> to vector<16x1xi32>
        %gather3A_142 = vector.shape_cast %broadcast_in_dim3A_141 : vector<16x1xi32> to vector<16xi32>
        %gather3A_143 = tpu.dynamic_gather %add3A_137[%gather3A_142] in [0] : vector<16xf32>, vector<16xi32> -> vector<16xf32>
        %add3A_144 = arith.addf %add3A_137, %gather3A_143 : vector<16xf32>
        %xor3A_145 = arith.constant 8 : i32
        %xor3A_146 = vector.broadcast %xor3A_145 : i32 to vector<16xi32>
        %xor3A_147 = arith.xori %iota3A, %xor3A_146 : vector<16xi32>
        %broadcast_in_dim3A_148 = vector.shape_cast %xor3A_147 : vector<16xi32> to vector<16x1xi32>
        %gather3A_149 = vector.shape_cast %broadcast_in_dim3A_148 : vector<16x1xi32> to vector<16xi32>
        %gather3A_150 = tpu.dynamic_gather %add3A_144[%gather3A_149] in [0] : vector<16xf32>, vector<16xi32> -> vector<16xf32>
        %add3A_151 = arith.addf %add3A_144, %gather3A_150 : vector<16xf32>
        %mul3A_152 = arith.constant 0.001953125 : f32
        %mul3A_153 = vector.broadcast %mul3A_152 : f32 to vector<16xf32>
        %mul3A_154 = arith.mulf %add3A_151, %mul3A_153 : vector<16xf32>
        %add3A_155 = arith.addf %scan3A_115, %mul3A_154 : vector<16xf32>
        %mul3A_156 = arith.mulf %mul3A_154, %mul3A_154 : vector<16xf32>
        %add3A_157 = arith.addf %scan3A_116, %mul3A_156 : vector<16xf32>
        %abs3A = math.absf %mul3A_154 : vector<16xf32>
        %add3A_158 = arith.addf %scan3A_117, %abs3A : vector<16xf32>
        scf.yield %add3A_155, %add3A_157, %add3A_158 : vector<16xf32>, vector<16xf32>, vector<16xf32>
      }
      %scan3A_104 = arith.constant 8 : i32
      %mul3A_105 = arith.constant 2 : i32
      %mul3A_106 = arith.muli %mul3A_105, %scan3A_64 : i32
      %add3A_107 = arith.constant 3 : i32
      %add3A_108 = arith.addi %mul3A_106, %add3A_107 : i32
      %lt3A_109 = arith.constant 4 : i32
      %lt3A_110 = arith.cmpi slt, %add3A_108, %lt3A_109 : i32
      %convert_element_type3A_111 = arith.extui %lt3A_110 : i1 to i32
      %cond3A_112 = arith.constant 0 : i32
      %cond3A_113 = arith.cmpi ne, %convert_element_type3A_111, %cond3A_112 : i32
      scf.if %cond3A_113 {
        %mul3A_114 = arith.constant 2 : i32
        %mul3A_115 = arith.muli %mul3A_114, %scan3A_64 : i32
        %add3A_116 = arith.constant 3 : i32
        %add3A_117 = arith.addi %mul3A_115, %add3A_116 : i32
        %mul3A_118 = arith.constant 32 : i32
        %mul3A_119 = arith.muli %add3A_117, %mul3A_118 : i32
        %add3A_120 = arith.constant 128 : i32
        %add3A_121 = arith.addi %add3A_120, %mul3A_119 : i32
        %dma_start3A_122 = arith.constant 1 : i32
        %dma_start3A_123 = arith.constant 0 : i32
        %dma_start3A_124 = arith.constant 0 : i32
        %dma_start3A_125 = tpu.memref_slice %arg7[%dma_start3A_122, %dma_start3A_123, %dma_start3A_124] : memref<2x32x512xf32, #tpu.memory_space<vmem>> -> memref<1x32x512xf32, #tpu.memory_space<vmem>>
        %dma_start3A_126 = tpu.memref_squeeze %dma_start3A_125 : memref<1x32x512xf32, #tpu.memory_space<vmem>> -> memref<32x512xf32, #tpu.memory_space<vmem>>
        %dma_start3A_127 = tpu.memref_slice %arg6[%add3A_121] : memref<256xi32, #tpu.memory_space<vmem>> -> memref<32xi32, #tpu.memory_space<vmem>>
        %dma_start3A_128 = arith.constant 0 : i32
        %dma_start3A_129 = arith.constant 0 : i32
        %dma_start3A_130 = tpu.memref_slice %arg3[%dma_start3A_128, %dma_start3A_129] : memref<8192x512xf32, #tpu.memory_space<hbm>> -> memref<8192x512xf32, #tpu.memory_space<hbm>>
        tpu.enqueue_indirect_dma source(%dma_start3A_130 : memref<8192x512xf32, #tpu.memory_space<hbm>>) target(%dma_start3A_126 : memref<32x512xf32, #tpu.memory_space<vmem>>) offsets(%dma_start3A_127 : memref<32xi32, #tpu.memory_space<vmem>>) semaphore(%arg10 : memref<!tpu.dma_semaphore, #tpu.memory_space<semaphore_mem>>)
      } else {
      }
      scf.yield %scan3A_103#0, %scan3A_103#1, %scan3A_103#2 : vector<16xf32>, vector<16xf32>, vector<16xf32>
    }
    %scan3A_31 = arith.constant 2 : i32
    %broadcast_in_dim3A_32 = arith.constant 0.000000e+00 : f32
    %broadcast_in_dim3A_33 = vector.broadcast %broadcast_in_dim3A_32 : f32 to vector<16xf32>
    %eq3A = arith.constant 0 : i32
    %eq3A_34 = vector.broadcast %eq3A : i32 to vector<16xi32>
    %eq3A_35 = arith.cmpi eq, %iota3A, %eq3A_34 : vector<16xi32>
    %select_n3A = arith.select %eq3A_35, %scan3A_24#0, %broadcast_in_dim3A_33 : vector<16xi1>, vector<16xf32>
    %eq3A_36 = arith.constant 1 : i32
    %eq3A_37 = vector.broadcast %eq3A_36 : i32 to vector<16xi32>
    %eq3A_38 = arith.cmpi eq, %iota3A, %eq3A_37 : vector<16xi32>
    %select_n3A_39 = arith.select %eq3A_38, %scan3A_24#1, %broadcast_in_dim3A_33 : vector<16xi1>, vector<16xf32>
    %add3A_40 = arith.addf %select_n3A, %select_n3A_39 : vector<16xf32>
    %eq3A_41 = arith.constant 2 : i32
    %eq3A_42 = vector.broadcast %eq3A_41 : i32 to vector<16xi32>
    %eq3A_43 = arith.cmpi eq, %iota3A, %eq3A_42 : vector<16xi32>
    %select_n3A_44 = arith.select %eq3A_43, %scan3A_24#2, %broadcast_in_dim3A_33 : vector<16xi1>, vector<16xf32>
    %add3A_45 = arith.addf %add3A_40, %select_n3A_44 : vector<16xf32>
    %eq3A_46 = arith.constant 3 : i32
    %eq3A_47 = vector.broadcast %eq3A_46 : i32 to vector<16xi32>
    %eq3A_48 = arith.cmpi eq, %iota3A, %eq3A_47 : vector<16xi32>
    %select_n3A_49 = arith.select %eq3A_48, %scan3A_30#0, %broadcast_in_dim3A_33 : vector<16xi1>, vector<16xf32>
    %add3A_50 = arith.addf %add3A_45, %select_n3A_49 : vector<16xf32>
    %eq3A_51 = arith.constant 4 : i32
    %eq3A_52 = vector.broadcast %eq3A_51 : i32 to vector<16xi32>
    %eq3A_53 = arith.cmpi eq, %iota3A, %eq3A_52 : vector<16xi32>
    %select_n3A_54 = arith.select %eq3A_53, %scan3A_30#1, %broadcast_in_dim3A_33 : vector<16xi1>, vector<16xf32>
    %add3A_55 = arith.addf %add3A_50, %select_n3A_54 : vector<16xf32>
    %eq3A_56 = arith.constant 5 : i32
    %eq3A_57 = vector.broadcast %eq3A_56 : i32 to vector<16xi32>
    %eq3A_58 = arith.cmpi eq, %iota3A, %eq3A_57 : vector<16xi32>
    %select_n3A_59 = arith.select %eq3A_58, %scan3A_30#2, %broadcast_in_dim3A_33 : vector<16xi1>, vector<16xf32>
    %add3A_60 = arith.addf %add3A_55, %select_n3A_59 : vector<16xf32>
    %swap3A = arith.constant 0 : index
    %swap3A_61 = tpu.vector_load %arg8[%swap3A] {strides = array<i32>} : memref<16xf32, #tpu.memory_space<vmem>>, vector<16xf32>,
    %swap3A_62 = vector.shape_cast %swap3A_61 : vector<16xf32> to vector<16xf32>
    %swap3A_63 = vector.shape_cast %add3A_60 : vector<16xf32> to vector<16xf32>
    tpu.vector_store %arg8[%swap3A], %swap3A_63 {strides = array<i32>} : memref<16xf32, #tpu.memory_space<vmem>>, vector<16xf32>,
    "tpu.region"() ({
      %run_scoped3A = tpu.sem_alloc : memref<!tpu.dma_semaphore, #tpu.memory_space<semaphore_mem>>
      %dma_start3A_64 = arith.constant 0 : i32
      %dma_start3A_65 = tpu.memref_slice %arg5[%add3A, %dma_start3A_64] : memref<32x16xf32, #tpu.memory_space<hbm>> -> memref<1x16xf32, #tpu.memory_space<hbm>>
      %dma_start3A_66 = tpu.memref_squeeze %dma_start3A_65 : memref<1x16xf32, #tpu.memory_space<hbm>> -> memref<16xf32, #tpu.memory_space<hbm>>
      %dma_start3A_67 = arith.constant 0 : i32
      %dma_start3A_68 = tpu.memref_slice %arg5[%add3A, %dma_start3A_67] : memref<32x16xf32, #tpu.memory_space<hbm>> -> memref<1x16xf32, #tpu.memory_space<hbm>>
      %dma_start3A_69 = tpu.memref_squeeze %dma_start3A_68 : memref<1x16xf32, #tpu.memory_space<hbm>> -> memref<16xf32, #tpu.memory_space<hbm>>
      tpu.enqueue_dma source(%arg8 : memref<16xf32, #tpu.memory_space<vmem>>) target(%dma_start3A_69 : memref<16xf32, #tpu.memory_space<hbm>>) target_semaphore(%run_scoped3A : memref<!tpu.dma_semaphore, #tpu.memory_space<semaphore_mem>>)
      %dma_wait3A = arith.constant 0 : i32
      %dma_wait3A_70 = tpu.memref_slice %arg5[%add3A, %dma_wait3A] : memref<32x16xf32, #tpu.memory_space<hbm>> -> memref<1x16xf32, #tpu.memory_space<hbm>>
      %dma_wait3A_71 = tpu.memref_squeeze %dma_wait3A_70 : memref<1x16xf32, #tpu.memory_space<hbm>> -> memref<16xf32, #tpu.memory_space<hbm>>
      %dma_wait3A_72 = arith.constant 0 : i32
      %dma_wait3A_73 = tpu.memref_slice %arg5[%add3A, %dma_wait3A_72] : memref<32x16xf32, #tpu.memory_space<hbm>> -> memref<1x16xf32, #tpu.memory_space<hbm>>
      %dma_wait3A_74 = tpu.memref_squeeze %dma_wait3A_73 : memref<1x16xf32, #tpu.memory_space<hbm>> -> memref<16xf32, #tpu.memory_space<hbm>>
      tpu.wait_dma2 semaphore(%run_scoped3A : memref<!tpu.dma_semaphore, #tpu.memory_space<semaphore_mem>>) src(%arg8 : memref<16xf32, #tpu.memory_space<vmem>>) dst(%dma_wait3A_74 : memref<16xf32, #tpu.memory_space<hbm>>)
      tpu.yield
    }) : () -> ()
    return
  }
}

module attributes {stable_mosaic.version = 14 : i64} {
  func.func @_combine_body(%arg0: memref<32x16xf32, #tpu.memory_space<vmem>>, %arg1: memref<1x1xf32, #tpu.memory_space<vmem>>) attributes {dimension_semantics = [], scalar_prefetch = 0 : i64, scratch_operands = 0 : i64, tpu.core_type = #tpu.core_type<tc>} {
    %get3A = arith.constant 0 : index
    %get3A_0 = arith.constant 0 : index
    %get3A_1 = vector.load %arg0[%get3A, %get3A_0] : memref<32x16xf32, #tpu.memory_space<vmem>>, vector<32x16xf32>
    %reduce_sum3A = arith.constant dense<0.000000e+00> : vector<16xf32>
    %reduce_sum3A_2 = vector.multi_reduction <add>, %get3A_1, %reduce_sum3A [0] : vector<32x16xf32> to vector<16xf32>
    %iota3A = tpu.iota {dimensions = array<i32: 1>} : vector<1x16xi32>
    %iota3A_3 = vector.shape_cast %iota3A : vector<1x16xi32> to vector<16xi32>
    %eq3A = arith.constant 0 : i32
    %eq3A_4 = vector.broadcast %eq3A : i32 to vector<16xi32>
    %eq3A_5 = arith.cmpi eq, %iota3A_3, %eq3A_4 : vector<16xi32>
    %jit3A = arith.constant 0.000000e+00 : f32
    %broadcast_in_dim3A = vector.broadcast %jit3A : f32 to vector<16xf32>
    %select_n3A = arith.select %eq3A_5, %reduce_sum3A_2, %broadcast_in_dim3A : vector<16xi1>, vector<16xf32>
    %reduce_sum3A_6 = vector.shape_cast %select_n3A : vector<16xf32> to vector<1x16xf32>
    %reduce_sum3A_7 = arith.constant dense<0.000000e+00> : vector<1xf32>
    %reduce_sum3A_8 = vector.multi_reduction <add>, %reduce_sum3A_6, %reduce_sum3A_7 [1] : vector<1x16xf32> to vector<1xf32>
    %reduce_sum3A_9 = vector.shape_cast %reduce_sum3A_8 : vector<1xf32> to vector<1x1xf32>
    %reduce_sum3A_10 = vector.extract %reduce_sum3A_9[0, 0] : f32 from vector<1x1xf32>
    %eq3A_11 = arith.constant 1 : i32
    %eq3A_12 = vector.broadcast %eq3A_11 : i32 to vector<16xi32>
    %eq3A_13 = arith.cmpi eq, %iota3A_3, %eq3A_12 : vector<16xi32>
    %jit3A_14 = arith.constant 0.000000e+00 : f32
    %broadcast_in_dim3A_15 = vector.broadcast %jit3A_14 : f32 to vector<16xf32>
    %select_n3A_16 = arith.select %eq3A_13, %reduce_sum3A_2, %broadcast_in_dim3A_15 : vector<16xi1>, vector<16xf32>
    %reduce_sum3A_17 = vector.shape_cast %select_n3A_16 : vector<16xf32> to vector<1x16xf32>
    %reduce_sum3A_18 = arith.constant dense<0.000000e+00> : vector<1xf32>
    %reduce_sum3A_19 = vector.multi_reduction <add>, %reduce_sum3A_17, %reduce_sum3A_18 [1] : vector<1x16xf32> to vector<1xf32>
    %reduce_sum3A_20 = vector.shape_cast %reduce_sum3A_19 : vector<1xf32> to vector<1x1xf32>
    %reduce_sum3A_21 = vector.extract %reduce_sum3A_20[0, 0] : f32 from vector<1x1xf32>
    %eq3A_22 = arith.constant 2 : i32
    %eq3A_23 = vector.broadcast %eq3A_22 : i32 to vector<16xi32>
    %eq3A_24 = arith.cmpi eq, %iota3A_3, %eq3A_23 : vector<16xi32>
    %jit3A_25 = arith.constant 0.000000e+00 : f32
    %broadcast_in_dim3A_26 = vector.broadcast %jit3A_25 : f32 to vector<16xf32>
    %select_n3A_27 = arith.select %eq3A_24, %reduce_sum3A_2, %broadcast_in_dim3A_26 : vector<16xi1>, vector<16xf32>
    %reduce_sum3A_28 = vector.shape_cast %select_n3A_27 : vector<16xf32> to vector<1x16xf32>
    %reduce_sum3A_29 = arith.constant dense<0.000000e+00> : vector<1xf32>
    %reduce_sum3A_30 = vector.multi_reduction <add>, %reduce_sum3A_28, %reduce_sum3A_29 [1] : vector<1x16xf32> to vector<1xf32>
    %reduce_sum3A_31 = vector.shape_cast %reduce_sum3A_30 : vector<1xf32> to vector<1x1xf32>
    %reduce_sum3A_32 = vector.extract %reduce_sum3A_31[0, 0] : f32 from vector<1x1xf32>
    %eq3A_33 = arith.constant 3 : i32
    %eq3A_34 = vector.broadcast %eq3A_33 : i32 to vector<16xi32>
    %eq3A_35 = arith.cmpi eq, %iota3A_3, %eq3A_34 : vector<16xi32>
    %jit3A_36 = arith.constant 0.000000e+00 : f32
    %broadcast_in_dim3A_37 = vector.broadcast %jit3A_36 : f32 to vector<16xf32>
    %select_n3A_38 = arith.select %eq3A_35, %reduce_sum3A_2, %broadcast_in_dim3A_37 : vector<16xi1>, vector<16xf32>
    %reduce_sum3A_39 = vector.shape_cast %select_n3A_38 : vector<16xf32> to vector<1x16xf32>
    %reduce_sum3A_40 = arith.constant dense<0.000000e+00> : vector<1xf32>
    %reduce_sum3A_41 = vector.multi_reduction <add>, %reduce_sum3A_39, %reduce_sum3A_40 [1] : vector<1x16xf32> to vector<1xf32>
    %reduce_sum3A_42 = vector.shape_cast %reduce_sum3A_41 : vector<1xf32> to vector<1x1xf32>
    %reduce_sum3A_43 = vector.extract %reduce_sum3A_42[0, 0] : f32 from vector<1x1xf32>
    %eq3A_44 = arith.constant 4 : i32
    %eq3A_45 = vector.broadcast %eq3A_44 : i32 to vector<16xi32>
    %eq3A_46 = arith.cmpi eq, %iota3A_3, %eq3A_45 : vector<16xi32>
    %jit3A_47 = arith.constant 0.000000e+00 : f32
    %broadcast_in_dim3A_48 = vector.broadcast %jit3A_47 : f32 to vector<16xf32>
    %select_n3A_49 = arith.select %eq3A_46, %reduce_sum3A_2, %broadcast_in_dim3A_48 : vector<16xi1>, vector<16xf32>
    %reduce_sum3A_50 = vector.shape_cast %select_n3A_49 : vector<16xf32> to vector<1x16xf32>
    %reduce_sum3A_51 = arith.constant dense<0.000000e+00> : vector<1xf32>
    %reduce_sum3A_52 = vector.multi_reduction <add>, %reduce_sum3A_50, %reduce_sum3A_51 [1] : vector<1x16xf32> to vector<1xf32>
    %reduce_sum3A_53 = vector.shape_cast %reduce_sum3A_52 : vector<1xf32> to vector<1x1xf32>
    %reduce_sum3A_54 = vector.extract %reduce_sum3A_53[0, 0] : f32 from vector<1x1xf32>
    %eq3A_55 = arith.constant 5 : i32
    %eq3A_56 = vector.broadcast %eq3A_55 : i32 to vector<16xi32>
    %eq3A_57 = arith.cmpi eq, %iota3A_3, %eq3A_56 : vector<16xi32>
    %jit3A_58 = arith.constant 0.000000e+00 : f32
    %broadcast_in_dim3A_59 = vector.broadcast %jit3A_58 : f32 to vector<16xf32>
    %select_n3A_60 = arith.select %eq3A_57, %reduce_sum3A_2, %broadcast_in_dim3A_59 : vector<16xi1>, vector<16xf32>
    %reduce_sum3A_61 = vector.shape_cast %select_n3A_60 : vector<16xf32> to vector<1x16xf32>
    %reduce_sum3A_62 = arith.constant dense<0.000000e+00> : vector<1xf32>
    %reduce_sum3A_63 = vector.multi_reduction <add>, %reduce_sum3A_61, %reduce_sum3A_62 [1] : vector<1x16xf32> to vector<1xf32>
    %reduce_sum3A_64 = vector.shape_cast %reduce_sum3A_63 : vector<1xf32> to vector<1x1xf32>
    %reduce_sum3A_65 = vector.extract %reduce_sum3A_64[0, 0] : f32 from vector<1x1xf32>
    %mul3A = arith.mulf %reduce_sum3A_10, %reduce_sum3A_10 : f32
    %div3A = arith.constant 1.024000e+03 : f32
    %div3A_66 = arith.divf %mul3A, %div3A : f32
    %sub3A = arith.subf %reduce_sum3A_21, %div3A_66 : f32
    %sub3A_67 = arith.constant 1.024000e+03 : f32
    %sub3A_68 = arith.constant 1.000000e+00 : f32
    %sub3A_69 = arith.subf %sub3A_67, %sub3A_68 : f32
    %div3A_70 = arith.divf %sub3A, %sub3A_69 : f32
    %mul3A_71 = arith.mulf %reduce_sum3A_43, %reduce_sum3A_43 : f32
    %div3A_72 = arith.constant 1.024000e+03 : f32
    %div3A_73 = arith.divf %mul3A_71, %div3A_72 : f32
    %sub3A_74 = arith.subf %reduce_sum3A_54, %div3A_73 : f32
    %sub3A_75 = arith.constant 1.024000e+03 : f32
    %sub3A_76 = arith.constant 1.000000e+00 : f32
    %sub3A_77 = arith.subf %sub3A_75, %sub3A_76 : f32
    %div3A_78 = arith.divf %sub3A_74, %sub3A_77 : f32
    %div3A_79 = arith.constant 1.024000e+03 : f32
    %div3A_80 = arith.divf %reduce_sum3A_32, %div3A_79 : f32
    %neg3A = arith.constant 0.000000e+00 : f32
    %neg3A_81 = arith.subf %neg3A, %div3A_80 : f32
    %sub3A_82 = arith.constant 1.000000e+00 : f32
    %sub3A_83 = arith.subf %sub3A_82, %div3A_70 : f32
    %mul3A_84 = arith.constant 1.000000e-01 : f32
    %mul3A_85 = arith.mulf %mul3A_84, %sub3A_83 : f32
    %add3A = arith.addf %neg3A_81, %mul3A_85 : f32
    %div3A_86 = arith.constant 1.024000e+03 : f32
    %div3A_87 = arith.divf %reduce_sum3A_65, %div3A_86 : f32
    %neg3A_88 = arith.constant 0.000000e+00 : f32
    %neg3A_89 = arith.subf %neg3A_88, %div3A_87 : f32
    %sub3A_90 = arith.constant 1.000000e+00 : f32
    %sub3A_91 = arith.subf %sub3A_90, %div3A_78 : f32
    %mul3A_92 = arith.constant 1.000000e-01 : f32
    %mul3A_93 = arith.mulf %mul3A_92, %sub3A_91 : f32
    %add3A_94 = arith.addf %neg3A_89, %mul3A_93 : f32
    %add3A_95 = arith.addf %add3A, %add3A_94 : f32
    %mul3A_96 = arith.constant 9.99999974E-5 : f32
    %mul3A_97 = arith.mulf %add3A_95, %mul3A_96 : f32
    %broadcast_in_dim3A_98 = vector.broadcast %mul3A_97 : f32 to vector<1x1xf32>
    %swap3A = arith.constant 0 : index
    %swap3A_99 = arith.constant 0 : index
    %swap3A_100 = vector.load %arg1[%swap3A, %swap3A_99] : memref<1x1xf32, #tpu.memory_space<vmem>>, vector<1x1xf32>
    tpu.vector_store %arg1[%swap3A, %swap3A_99], %broadcast_in_dim3A_98 {strides = array<i32>} : memref<1x1xf32, #tpu.memory_space<vmem>>, vector<1x1xf32>,
    return
  }
}

</mosaic_0001>

<sc_bundles>
// kernel: kernel.4.cloned.1.call-start
scs
__scs_entry_jumppad:
0x0: {  	(pc) =	sbr.rel $0x88, $3  }
0x1: {  	(tag) =	ssettag $0x0;
	lr =	simm.s32 $0x1  }
0x2: {  	[smem:$0x3F9F] =	sst lr;
	_ =	strace $0xD0000000  }
0x3: {  	_ = 	snop  }
0x4: {  	_ = 	snop  }
0x5: {  	_ = 	snop  }
0x6: {  	_ = 	snop  }
0x7: {  	_ = 	snop  }
__scs_overlays_trampoline_lowered:
0x8: {  	[smem:$0x3FAE] =	sst s0  }
0x9: {  	[smem:$0x3FAF] =	sst s1  }
0xa: {  	[smem:$0x3FB0] =	sst s2  }
0xb: {  	[smem:$0x3FB1] =	sst s3  }
0xc: {  	[smem:$0x3FB2] =	sst s4  }
0xd: {  	[smem:$0x3FB3] =	sst s5  }
0xe: {  	[smem:$0x3FB4] =	sst s6  }
0xf: {  	[smem:$0x3FB5] =	sst s7  }
0x10: {  	[smem:$0x3FB6] =	sst s8  }
0x11: {  	[smem:$0x3FB7] =	sst s9;
	s0 =	simm.s32 @!p0 $0x0  }
0x12: {  	s1 =	sld [smem:$0x3F9D];
	s0 =	simm.s32 @p0 $0x1  }
0x13: {  	[smem:$0x3FB8] =	sst s0;
	s0 =	simm.s32 @!p1 $0x0  }
0x14: {  	s2 =	sld [smem:$0x3F9C];
	s0 =	simm.s32 @p1 $0x1  }
0x15: {  	[smem:$0x3FB9] =	sst s0;
	s0 =	simm.s32 @!p2 $0x0  }
0x16: {  	s3 =	sld [smem:$0x3FDB];
	s0 =	simm.s32 @p2 $0x1  }
0x17: {  	s4 =	simm.s32 $0x1BF5;
	[smem:$0x3FBB] =	sst s0  }
0x18: {  	s0 =	sld [smem:$0x3F9E];
	_ =	swait.ge [sflag:s4], $0x0  }
0x19: {  	s7 =	sld [smem:$0x3F9F]  }
0x1a: {  	s8 =	sadd.s32 $0xFFFFE003, lr  }
0x1b: {  	s9 =	sadd.s32 $0xFFFFFEF7, lr;
	s5 =	simm.s32 $0xFFFFFFFF;
	p2 =	slt.u32 s8, $0xFFFFF086  }
0x1c: {  	p1 =	slt.u32 s9, $0xF7A;
	s5 =	simm.s32 @!p2 $0x0  }
0x1d: {  	s5 =	simm.s32 @p1 $0x1;
	p0 =	seq.s32 s7, s2  }
0x1e: {  	s7 =	smul.u32 @!p0 $0xF7A, s2;
	p2 =	seq.s32 @!p0 s5, $0x0  }
0x1f: {  	s9 =	smul.u32 $0xF7A, s1;
	s8 =	simm.s32 @!p0 $0x1BF5;
	p2 =	por !p2, p0  }
0x20: {  	[sflag:s8] =	ssyncset.s32 @!p0 $0xFFFFF086;
	s6 =	sadd.s32 @!p0 s3, s7;
	s7 =	simm.s32 @!p0 $0x108  }
0x21: {  	s3 =	sadd.s32 s3, s9;
	s6 =	sadd.s32 @!p0 $0x88, s6;
	s7 =	simm.s32 @p2 $0x1082  }
0x22: {  	[simem:s7], [sflag:s8] =	dma.local @!p0 [hbm:s6], $0xF7A  }
0x23: {  	s9 =	sor.u32 $0xD0000000, s2;
	s6 =	simm.s32 $0x108;
	_ =	swait.ge @!p0 [sflag:s8], $0x0  }
0x24: {  	s3 =	sadd.s32 $0x88, s3;
	s6 =	simm.s32 @!p1 $0x1082;
	[sflag:s4] =	ssyncset.s32 $0xFFFFF086  }
0x25: {  	[simem:s6], [sflag:s4] =	dma.local [hbm:s3], $0xF7A  }
0x26: {  	[smem:$0x3F9F] =	sst s1;
	(tag) =	ssettag s2;
	_ =	strace s9  }
0x27: {  	s1 =	sld [smem:$0x3FAF]  }
0x28: {  	s2 =	sld [smem:$0x3FB0]  }
0x29: {  	s4 =	sld [smem:$0x3FB2]  }
0x2a: {  	p0 =	seq.s32 s5, $0x0;
	s5 =	sld [smem:$0x3FB3]  }
0x2b: {  	s6 =	sld [smem:$0x3FB4]  }
0x2c: {  	s7 =	sld [smem:$0x3FB5]  }
0x2d: {  	s3 =	simm.s32 $0x108;
	s8 =	sld [smem:$0x3FB6]  }
0x2e: {  	s3 =	simm.s32 @!p0 $0x1082;
	s9 =	sld [smem:$0x3FB7]  }
0x2f: {  	lr =	sadd.s32 s0, s3;
	s0 =	sld [smem:$0x3FAE]  }
0x30: {  	s3 =	sld [smem:$0x3FB1]  }
0x31: {  	[smem:$0x3FBA] =	sst s10  }
0x32: {  	s10 =	sld [smem:$0x3FB8];
	_ =	sdelay $0x3  }
0x33: {  	p0 =	seq.s32 s10, $0x1;
	s10 =	sld [smem:$0x3FBA];
	_ =	sdelay $0x3  }
0x34: {  	[smem:$0x3FBA] =	sst s10  }
0x35: {  	s10 =	sld [smem:$0x3FB9];
	_ =	sdelay $0x3  }
0x36: {  	p1 =	seq.s32 s10, $0x1;
	s10 =	sld [smem:$0x3FBA];
	_ =	sdelay $0x3  }
0x37: {  	[smem:$0x3FBA] =	sst s10  }
0x38: {  	s10 =	sld [smem:$0x3FBB]  }
0x39: {  	_ = 	snop;
	(pc) =	sbr.ind lr, $3  }
0x3a: {  	_ = 	snop  }
0x3b: {  	_ = 	snop  }
0x3c: {  	p2 =	seq.s32 s10, $0x1;
	s10 =	sld [smem:$0x3FBA]  }
0x3d: {  	_ =	shalt  }
0x3e: {  	_ =	shalt  }
0x3f: {  	_ =	shalt  }
0x40: {  	_ =	shalt  }
0x41: {  	_ =	shalt  }
0x42: {  	_ =	shalt  }
0x43: {  	_ =	shalt  }
0x44: {  	_ =	shalt  }
0x45: {  	_ =	shalt  }
0x46: {  	_ =	shalt  }
0x47: {  	_ =	shalt  }
0x48: {  	_ =	shalt  }
0x49: {  	_ =	shalt  }
0x4a: {  	_ =	shalt  }
0x4b: {  	_ =	shalt  }
0x4c: {  	_ =	shalt  }
0x4d: {  	_ =	shalt  }
0x4e: {  	_ =	shalt  }
0x4f: {  	_ =	shalt  }
0x50: {  	_ =	shalt  }
0x51: {  	_ =	shalt  }
0x52: {  	_ =	shalt  }
0x53: {  	_ =	shalt  }
0x54: {  	_ =	shalt  }
0x55: {  	_ =	shalt  }
0x56: {  	_ =	shalt  }
0x57: {  	_ =	shalt  }
0x58: {  	_ =	shalt  }
0x59: {  	_ =	shalt  }
0x5a: {  	_ =	shalt  }
0x5b: {  	_ =	shalt  }
0x5c: {  	_ =	shalt  }
0x5d: {  	_ =	shalt  }
0x5e: {  	_ =	shalt  }
0x5f: {  	_ =	shalt  }
0x60: {  	_ =	shalt  }
0x61: {  	_ =	shalt  }
0x62: {  	_ =	shalt  }
0x63: {  	_ =	shalt  }
0x64: {  	_ =	shalt  }
0x65: {  	_ =	shalt  }
0x66: {  	_ =	shalt  }
0x67: {  	_ =	shalt  }
0x68: {  	_ =	shalt  }
0x69: {  	_ =	shalt  }
0x6a: {  	_ =	shalt  }
0x6b: {  	_ =	shalt  }
0x6c: {  	_ =	shalt  }
0x6d: {  	_ =	shalt  }
0x6e: {  	_ =	shalt  }
0x6f: {  	_ =	shalt  }
0x70: {  	_ =	shalt  }
0x71: {  	_ =	shalt  }
0x72: {  	_ =	shalt  }
0x73: {  	_ =	shalt  }
0x74: {  	_ =	shalt  }
0x75: {  	_ =	shalt  }
0x76: {  	_ =	shalt  }
0x77: {  	_ =	shalt  }
0x78: {  	_ =	shalt  }
0x79: {  	_ =	shalt  }
0x7a: {  	_ =	shalt  }
0x7b: {  	_ =	shalt  }
0x7c: {  	_ =	shalt  }
0x7d: {  	_ =	shalt  }
0x7e: {  	_ =	shalt  }
0x7f: {  	_ =	shalt  }
0x80: {  	_ =	shalt  }
0x81: {  	_ =	shalt  }
0x82: {  	_ =	shalt  }
0x83: {  	_ =	shalt  }
0x84: {  	_ =	shalt  }
0x85: {  	_ =	shalt  }
0x86: {  	_ =	shalt  }
0x87: {  	_ =	shalt  }
.Lfunc_end0:
.L_simem_size_0:
called_computation_lowered:
.L_overlay_start_0:
0x88: {  	s2 =	sld [smem:$0x3FD9]  }
0x89: {  	s3 =	sld [smem:$0x3FFE];
	_ =	sdelay $0x1  }
0x8a: {  	s1 =	srdreg.scid  }
0x8b: {  	s0 =	sand.u32 $0x1, s1  }
0x8c: {  	s17 =	sshll.u32 s0, $0xA;
	s2 =	sadd.s32 s3, s2  }
0x8d: {  	s2 =	sadd.s32 s2, s17  }
0x8e: {  	[smem:$0x3FC6] =	sst s2  }
0x8f: {  	_ = 	snop  }
0x90: {  	s2 =	sld [smem:$0x3FC9]  }
0x91: {  	s18 =	sld [smem:$0x3FC8];
	(tm) =	ssettm $0x1  }
0x92: {  	s4 =	sld [smem:$0x3FFB];
	_ =	sdelay $0x3  }
0x93: {  	_ =	strace s4  }
0x94: {  	s4 =	sld [smem:$0x3FFC];
	_ =	sdelay $0x3  }
0x95: {  	_ =	strace s4  }
0x96: {  	s4 =	sld [smem:$0x3FFD];
	_ =	sdelay $0x3  }
0x97: {  	_ =	strace s4  }
0x98: {  	_ =	strace $0x8FFFFFFF  }
0x99: {  	s19 =	sld [smem:$0x3FDB];
	_ =	sdelay $0x1  }
0x9a: {  	s5 =	simm.s32 $_scs_section_size  }
0x9b: {  	s6 =	simm.s32 $_size__tile_overlayer_lowered;
	s7 =	simm.s32 $_tile_overlayer_lowered  }
0x9c: {  	s22 =	simm.s32 $0x1BFF;
	s21 =	sshll.u32 s7, $0x1;
	s4 =	sadd.s32 s5, s19  }
0x9d: {  	s8 =	simm.s32 $0x0;
	s20 =	sshll.u32 s6, $0x1;
	s6 =	sadd.s32 s21, s4  }
0x9e: {  	[timem:s8], [sflag:s22] =	dma.local [hbm:s6], s20  }
0x9f: {  	_ =	swait.ge [sflag:s22], s20  }
0xa0: {  	s5 =	ssub.s32 $0x0, s20;
	[sflag:s22] =	ssyncset.done $0x0  }
0xa1: {  	[sflag:s22] =	ssyncadd.s32 s5;
	_ =	sdelay $0x1  }
0xa2: {  	s23 =	simm.s32 $0x1B8B  }
0xa3: {  	_ =	swait.ge [sflag:s23], $0x1  }
0xa4: {  	[sflag:s23] =	ssyncset.done $0x0  }
0xa5: {  	s25 =	simm.s32 $0x1B8E;
	s24 =	sld [smem:$0x3FFE];
	[sflag:s23] =	ssyncadd.s32 $0xFFFFFFFF  }
0xa6: {  	s26 =	simm.s32 $execute0_lowered;
	[smem:$0x3FD2] =	sst s25  }
0xa7: {  	s6 =	sshll.u32 s26, $0x1;
	_ =	strace $0x80000046;
	[dreg:$0x1] =	wrdreg $0xFFFFFFFF  }
0xa8: {  	s28 =	simm.s32 $_size_execute0_lowered;
	s4 =	sadd.s32 s4, s6;
	[dreg:$0x0] =	wrdreg $0x0  }
0xa9: {  	s6 =	sshll.u32 s28, $0x1;
	[dreg:$0x2] =	wrdreg s4  }
0xaa: {  	[dreg:$0x3] =	wrdreg s6  }
0xab: {  	[dreg:$0x4] =	wrdreg $0xC0  }
0xac: {  	_ =	task [dreg:s8], $0x5FFFF  }
0xad: {  	[dreg:$0x1] =	wrdreg $0xFFFFFFFF  }
0xae: {  	[dreg:$0x0] =	wrdreg $0x60  }
0xaf: {  	[dreg:$0x2] =	wrdreg s2  }
0xb0: {  	[dreg:$0x3] =	wrdreg s18  }
0xb1: {  	[dreg:$0x4] =	wrdreg s24  }
0xb2: {  	[dreg:$0x5] =	wrdreg $0x9  }
0xb3: {  	_ =	task.clear_ibuf [dreg:s8], $0x6FFFF;
	_ =	strace $0x90000046  }
0xb4: {  	s29 =	simm.s32 $0x9;
	_ =	strace $0x80000048  }
0xb5: {  	_ =	swait.ge [sflag:s29], $0x1  }
0xb6: {  	[sflag:s29] =	ssyncadd.s32 $0xFFFFFFFF  }
0xb7: {  	_ =	strace $0x90000048  }
0xb8: {  	_ =	sfence  }
0xb9: {  	s30 =	sld [smem:$0x0];
	_ =	sdelay $0x2  }
0xba: {  	s31 =	sshll.u32 s1, $0xD;
	s1 =	sshrl.u32 s1, $0x2  }
0xbb: {  	s3 =	sand.u32 $0x4000, s31;
	s1 =	sadd.s32 s1, s30  }
0xbc: {  	s0 =	sor.u32 s3, s0;
	s1 =	sshll.u32 s1, $0x11  }
0xbd: {  	s0 =	sor.u32 s1, s0  }
0xbe: {  	s0 =	sadd.s32 $0x8F2B, s0  }
0xbf: {  	[sflag:s0] =	ssyncadd.remote.s32 $0x1  }
0xc0: {  	_ =	sfence.sel $0xFFFF  }
0xc1: {  	[dreg:$0x0] =	wrdreg $0xFFFFFFFF;
	(pc) =	sbr.abs _section_cstart, $3  }
0xc2: {  	[dreg:$0x1] =	wrdreg $0xFFFFFFFF  }
0xc3: {  	_ =	task.clear_ibuf [dreg:s8], $0x2FFFF;
	_ =	strace $0x9FFFFFFF  }
0xc4: {  	(tm) =	ssettm $0x7FFFFFFF  }
0xc5: {  	_ =	shalt  }
tec
execute0_lowered:
.L_overlay_start_1:
0x0: {  	(tag) =	ssettag $0x1  }
0x1: {  	s1 =	rddreg [dreg:$0x0]  }
0x2: {  	s3 =	rddreg [dreg:$0x1]  }
0x3: {  	s0 =	rddreg [dreg:$0x2]  }
0x4: {  	s2 =	srdreg.scid;
	s5 =	stileid.u32;
	v0 =	vimm.s32 $0xEFCDAB89  }
0x5: {  	s8 =	simm.s32 $0x0;
	v1 =	vimm.s32 $0x67452301;
	v2 =	vimm.s32 $0xDCFE98BA;
	s16 =	simm.s32 $0x1900;
	s17 =	simm.s32 $0x2100  }
0x6: {  	v3 =	vimm.s32 $0xBA98FEDC;
	s18 =	simm.s32 $0x2900;
	s19 =	simm.s32 $0x3100;
	s20 =	simm.s32 $0x3900  }
0x7: {  	v4 =	vimm.s32 $0x32107654;
	s21 =	simm.s32 $0x4100;
	s28 =	simm.s32 $0x7100;
	s29 =	simm.s32 $0x7900  }
0x8: {  	v5 =	vimm.s32 $0xFEDCBA98;
	s30 =	simm.s32 $0x1;
	s31 =	simm.s32 $0x2;
	s2 =	sand.u32 $0x1, s2;
	v0 =	vunpack.c.l.s4.s8 v0;
	v1 =	vunpack.c.l.s4.s8 v1  }
0x9: {  	v6 =	vimm.s32 $0x76543210;
	v7 =	vlaneseq.u32;
	vm0 =	vmmov $0xffff;
	s4 =	sshll.u32 s5, $0x8;
	s5 =	sshrl.u32 s5, $0x2;
	[smem:$0x7FF] =	sst s8  }
0xa: {  	v2 =	vunpack.c.l.s4.s8 v2;
	s7 =	sadd.s32 $0x100, s3;
	s6 =	sshll.u32 s2, $0x7;
	s4 =	sand.u32 $0x300, s4;
	v0 =	vunpack.c.0.s8.s32 v0;
	v1 =	vunpack.c.0.s8.s32 v1  }
0xb: {  	vm1 =	vcmask $0x308;
	vm2 =	vcmask $0x70C;
	vm3 =	vcmask $0xB10;
	s22 =	sshll.u32 s5, $0xB;
	_ =	strace $0x80000047;
	s2 =	ssub.s32 $0x2, s2  }
0xc: {  	s5 =	sshll.u32 s5, $0xA;
	s4 =	sor.u32 s6, s4;
	s24 =	sshrl.u32 s2, $0x1;
	v0 =	vcombine.low v1, v0;
	v1 =	vunpack.c.0.s8.s32 v2;
	v2 =	vimm.s32 $0x54761032  }
0xd: {  	v3 =	vunpack.c.l.s4.s8 v3;
	v4 =	vunpack.c.l.s4.s8 v4;
	s6 =	sor.u32 s22, s4;
	s4 =	sor.u32 s5, s4;
	s2 =	ssub.s32 s2, s24;
	v2 =	vunpack.c.l.s4.s8 v2  }
0xe: {  	vm4 =	vcmask $0xF14;
	v5 =	vunpack.c.l.s4.s8 v5;
	v6 =	vunpack.c.l.s4.s8 v6;
	s5 =	simm.s32 $0x3;
	s22 =	simm.s32 $0x4900;
	s24 =	simm.s32 $0x5900  }
0xf: {  	v3 =	vunpack.c.0.s8.s32 v3;
	v4 =	vunpack.c.0.s8.s32 v4;
	s6 =	sshrl.u32 s6, $0x3;
	s4 =	sshrl.u32 s4, $0x3;
	s26 =	smax.u32 s2, $0x1;
	v2 =	vunpack.c.0.s8.s32 v2  }
0x10: {  	vm5 =	vcmask $0x1318;
	v8 =	vshrl.u32 v7, $0x3;
	v5 =	vunpack.c.0.s8.s32 v5;
	s2 =	simm.s32 $0x0;
	s23 =	sadd.s32 s6, s0;
	s0 =	sadd.s32 s4, s0  }
0x11: {  	v6 =	vunpack.c.0.s8.s32 v6;
	s6 =	sadd.s32 $0x100, s1;
	[dreg:$0x6] =	wrdreg s26;
	s25 =	sadd.s32 $0x600, s23;
	v1 =	vcombine.low v2, v1;
	v2 =	vcombine.low v4, v3  }
0x12: {  	s26 =	simm.s32 $0x6900;
	s0 =	sadd.s32 $0xA00, s0;
	[dreg:$0x4] =	wrdreg s25;
	v3 =	vand.u32 $0x7, v7;
	v4 =	vmul.u32 $0x8, v8;
	v8 =	vand.u32 $0xF, v5  }
0x13: {  	s23 =	simm.s32 $0x5100;
	[dreg:$0x5] =	wrdreg s0;
	s25 =	simm.s32 $0x6100;
	v5 =	vor.u32 $0x8, v7;
	v6 =	vcombine.low v8, v6;
	v7 =	vor.u32 $0x8, v3  }
.LBB2_1:
0x14: {  	[dreg:$0x7] =	wrdreg s2  }
0x15: {  	s0 =	rddreg [dreg:$0x4];
	s12 =	simm.s32 $0x80;
	s4 =	simm.s32 $0x400  }
0x16: {  	[tilespmem:s8], [sflag:$0x3] =	stream.strided.gather [hbm4b:s0+s12], $0x100, s4, s12, $0x38;
	[tilespmem:$0x8180] =	vst v63  }
0x17: {  	_ =	swait.ge [sflag:s5], $0x100  }
0x18: {  	[sflag:s5] =	ssyncset.done $0x0  }
0x19: {  	[sflag:s5] =	ssyncadd.s32 $0xFFFFFF00  }
0x1a: {  	v8 =	vld [tilespmem:$0x0];
	_ =	sdelay $0x4  }
0x1b: {  	v9 =	vshll.u32 v8, $0x2  }
0x1c: {  	v8 =	vand.u32 $0x7, v8;
	v9 =	vand.u32 $0xFFFFFFE0, v9  }
0x1d: {  	v8 =	vor.u32 v8, v9  }
0x1e: {  	v9 =	vperm.xlane v8, v3;
	_ =	sdelay $0x1  }
0x1f: {  	v9 =	vadd.s32 v4, v9;
	_ =	sdelay $0x1  }
0x20: {  	v8 =	vperm.xlane v8, v5;
	_ =	sdelay $0x1  }
0x21: {  	s13 =	simm.s32 $0x100;
	v8 =	vadd.s32 v4, v8  }
0x22: {  	[tilespmem:s13], [sflag:$0x1] =	stream.indirect_vreg.gather [hbm4b:s1+s8], $0x80, v9, vm0, $0xb8;
	[tilespmem:$0x8180] =	vst v63  }
0x23: {  	s14 =	simm.s32 $0x900  }
0x24: {  	[tilespmem:s14], [sflag:$0x1] =	stream.indirect_vreg.gather [hbm4b:s6+s8], $0x80, v9, vm0, $0xb8;
	[tilespmem:$0x8180] =	vst v63  }
0x25: {  	s15 =	simm.s32 $0x1100  }
0x26: {  	[tilespmem:s15], [sflag:$0x1] =	stream.indirect_vreg.gather [hbm4b:s1+s8], $0x80, v8, vm0, $0xb8;
	[tilespmem:$0x8180] =	vst v63  }
0x27: {  	_ = 	snop  }
0x28: {  	[tilespmem:s16], [sflag:$0x1] =	stream.indirect_vreg.gather [hbm4b:s6+s8], $0x80, v8, vm0, $0xb8;
	[tilespmem:$0x8180] =	vst v63  }
0x29: {  	v8 =	vld [tilespmem:$0x10];
	_ =	sdelay $0x4  }
0x2a: {  	v9 =	vshll.u32 v8, $0x2  }
0x2b: {  	v8 =	vand.u32 $0x7, v8;
	v9 =	vand.u32 $0xFFFFFFE0, v9  }
0x2c: {  	v8 =	vor.u32 v8, v9  }
0x2d: {  	v9 =	vperm.xlane v8, v3;
	_ =	sdelay $0x1  }
0x2e: {  	v9 =	vadd.s32 v4, v9;
	_ =	sdelay $0x1  }
0x2f: {  	v8 =	vperm.xlane v8, v5;
	_ =	sdelay $0x1  }
0x30: {  	v8 =	vadd.s32 v4, v8  }
0x31: {  	[tilespmem:s17], [sflag:$0x1] =	stream.indirect_vreg.gather [hbm4b:s1+s8], $0x80, v9, vm0, $0xb8;
	[tilespmem:$0x8180] =	vst v63  }
0x32: {  	_ = 	snop  }
0x33: {  	[tilespmem:s18], [sflag:$0x1] =	stream.indirect_vreg.gather [hbm4b:s6+s8], $0x80, v9, vm0, $0xb8;
	[tilespmem:$0x8180] =	vst v63  }
0x34: {  	_ = 	snop  }
0x35: {  	[tilespmem:s19], [sflag:$0x1] =	stream.indirect_vreg.gather [hbm4b:s1+s8], $0x80, v8, vm0, $0xb8;
	[tilespmem:$0x8180] =	vst v63  }
0x36: {  	_ = 	snop  }
0x37: {  	[tilespmem:s20], [sflag:$0x1] =	stream.indirect_vreg.gather [hbm4b:s6+s8], $0x80, v8, vm0, $0xb8;
	[tilespmem:$0x8180] =	vst v63  }
0x38: {  	p2 =	por $0x1, $0x1;
	v10 =	vimm.f32 $0.0e+00;
	s5 =	simm.s32 $0x30;
	v9 =	vimm.f32 $0.0e+00;
	v8 =	vimm.f32 $0.0e+00;
	s8 =	simm.s32 $0x20  }
.LBB2_2:
0x39: {  	v11 =	vld [tilespmem:s8+$0x0];
	_ =	sdelay $0x4  }
0x3a: {  	v12 =	vshll.u32 v11, $0x2  }
0x3b: {  	v11 =	vand.u32 $0x7, v11;
	v12 =	vand.u32 $0xFFFFFFE0, v12  }
0x3c: {  	v11 =	vor.u32 v11, v12  }
0x3d: {  	v12 =	vperm.xlane v11, v3;
	_ =	sdelay $0x1  }
0x3e: {  	v12 =	vadd.s32 v4, v12;
	_ =	sdelay $0x1  }
0x3f: {  	v11 =	vperm.xlane v11, v5;
	_ =	sdelay $0x1  }
0x40: {  	s10 =	simm.s32 $0x0;
	v11 =	vadd.s32 v4, v11  }
0x41: {  	[tilespmem:s21], [sflag:$0x2] =	stream.indirect_vreg.gather [hbm4b:s1+s10], $0x80, v12, vm0, $0xb8;
	[tilespmem:$0x8180] =	vst v63  }
0x42: {  	_ = 	snop  }
0x43: {  	[tilespmem:s22], [sflag:$0x2] =	stream.indirect_vreg.gather [hbm4b:s6+s10], $0x80, v12, vm0, $0xb8;
	[tilespmem:$0x8180] =	vst v63  }
0x44: {  	_ = 	snop  }
0x45: {  	[tilespmem:s23], [sflag:$0x2] =	stream.indirect_vreg.gather [hbm4b:s1+s10], $0x80, v11, vm0, $0xb8;
	[tilespmem:$0x8180] =	vst v63  }
0x46: {  	_ = 	snop  }
0x47: {  	[tilespmem:s24], [sflag:$0x2] =	stream.indirect_vreg.gather [hbm4b:s6+s10], $0x80, v11, vm0, $0xb8;
	[tilespmem:$0x8180] =	vst v63  }
0x48: {  	v11 =	vld [tilespmem:s5+$0x0];
	_ =	sdelay $0x4  }
0x49: {  	v63 =	vshll.u32 v11, $0x2  }
0x4a: {  	v11 =	vand.u32 $0x7, v11;
	v12 =	vand.u32 $0xFFFFFFE0, v63  }
0x4b: {  	v11 =	vor.u32 v11, v12  }
0x4c: {  	v12 =	vperm.xlane v11, v3;
	_ =	sdelay $0x1  }
0x4d: {  	v12 =	vadd.s32 v4, v12;
	_ =	sdelay $0x1  }
0x4e: {  	v11 =	vperm.xlane v11, v5;
	_ =	sdelay $0x1  }
0x4f: {  	v11 =	vadd.s32 v4, v11  }
0x50: {  	[tilespmem:s25], [sflag:$0x2] =	stream.indirect_vreg.gather [hbm4b:s1+s10], $0x80, v12, vm0, $0xb8;
	[tilespmem:$0x8180] =	vst v63  }
0x51: {  	_ = 	snop  }
0x52: {  	[tilespmem:s26], [sflag:$0x2] =	stream.indirect_vreg.gather [hbm4b:s6+s10], $0x80, v12, vm0, $0xb8;
	[tilespmem:$0x8180] =	vst v63  }
0x53: {  	_ = 	snop  }
0x54: {  	[tilespmem:s28], [sflag:$0x2] =	stream.indirect_vreg.gather [hbm4b:s1+s10], $0x80, v11, vm0, $0xb8;
	[tilespmem:$0x8180] =	vst v63  }
0x55: {  	_ = 	snop  }
0x56: {  	[tilespmem:s29], [sflag:$0x2] =	stream.indirect_vreg.gather [hbm4b:s6+s10], $0x80, v11, vm0, $0xb8;
	[tilespmem:$0x8180] =	vst v63  }
0x57: {  	_ =	swait.ge [sflag:s30], $0x4000  }
0x58: {  	[sflag:s30] =	ssyncset.done $0x0  }
0x59: {  	p0 =	por p2, p2;
	s11 =	simm.s32 $0x0;
	[sflag:s30] =	ssyncadd.s32 $0xFFFFC000  }
.LBB2_3:
0x5a: {  	s0 =	sshll.u32 s11, $0x9;
	s4 =	sshll.u32 s11, $0xB  }
0x5b: {  	s4 =	sand.u32 $0x3000, s4;
	s0 =	sand.u32 $0x200, s0  }
0x5c: {  	s0 =	sor.u32 s0, s4  }
0x5d: {  	s14 =	sand.u32 $0xC00, s10;
	s13 =	sor.u32 $0x100, s0;
	s0 =	sand.u32 $0x60, s10  }
0x5e: {  	s4 =	sadd.s32 s14, s13;
	s5 =	sor.u32 $0x10, s0  }
0x5f: {  	s8 =	sadd.s32 s5, s4  }
0x60: {  	s9 =	sadd.s32 s0, s4;
	s12 =	sadd.s32 $0x80, s4;
	v15 =	vld [tilespmem:s8+$0x0]  }
0x61: {  	v12 =	vld [tilespmem:s9+$0x0];
	s15 =	sadd.s32 s5, s12  }
0x62: {  	s2 =	sadd.s32 s0, s12;
	s12 =	sadd.s32 $0x100, s4;
	v16 =	vld [tilespmem:s15+$0x0]  }
0x63: {  	s4 =	sadd.s32 $0x180, s4;
	v17 =	vld [tilespmem:s2+$0x0];
	s14 =	sadd.s32 s0, s12  }
0x64: {  	s0 =	sadd.s32 s0, s4;
	s15 =	simm.s32 $0x100;
	v18 =	vld [tilespmem:s14+$0x0]  }
0x65: {  	s14 =	simm.s32 $0x20;
	s8 =	sand.u32 $0xC00, s15;
	v19 =	vld [tilespmem:s0+$0x0];
	s15 =	sadd.s32 s5, s12  }
0x66: {  	s5 =	sadd.s32 s5, s4;
	s2 =	sand.u32 $0x60, s14;
	s8 =	sadd.s32 s8, s13;
	v20 =	vld [tilespmem:s15+$0x0]  }
0x67: {  	v21 =	vld [tilespmem:s5+$0x0];
	s14 =	sor.u32 $0x10, s2;
	s12 =	sadd.s32 s2, s8  }
0x68: {  	s15 =	sadd.s32 $0x80, s8;
	s9 =	sadd.s32 s14, s8;
	v11 =	vld [tilespmem:s12+$0x0]  }
0x69: {  	s4 =	sadd.s32 s14, s15;
	v13 =	vld [tilespmem:s9+$0x0]  }
0x6a: {  	s12 =	sadd.s32 s2, s15;
	s9 =	sadd.s32 $0x100, s8;
	v14 =	vld [tilespmem:s4+$0x0];
	v22 =	vmul.f32 v17, v12;
	v18 =	vmul.f32 v19, v18  }
0x6b: {  	s0 =	simm.s32 $0x2;
	v12 =	vld [tilespmem:s12+$0x0];
	s12 =	sadd.s32 $0x180, s8;
	v17 =	vmul.f32 v16, v15;
	s15 =	sadd.s32 s2, s9  }
0x6c: {  	s5 =	simm.s32 $0x200;
	v16 =	vimm.f32 $0.0e+00;
	s8 =	simm.s32 $0x40;
	s4 =	sadd.s32 s2, s12;
	v15 =	vld [tilespmem:s15+$0x0];
	v19 =	vmul.f32 v21, v20;
	v18 =	vmul.f32 v18, v22  }
.LBB2_4:
0x6d: {  	s2 =	sand.u32 $0x60, s8  }
0x6e: {  	s15 =	sand.u32 $0xC00, s5;
	v20 =	vld [tilespmem:s4+$0x0];
	s4 =	sadd.s32 s14, s9;
	v21 =	vmov v13;
	s0 =	sadd.s32 $0x2, s0  }
0x6f: {  	s15 =	sadd.s32 s15, s13;
	v22 =	vld [tilespmem:s4+$0x0];
	s4 =	sadd.s32 s14, s12;
	s14 =	sor.u32 $0x10, s2;
	v16 =	vadd.f32 v18, v16;
	v17 =	vmul.f32 v19, v17;
	v18 =	vmov v11  }
0x70: {  	p1 =	slt.u32 s0, $0x1E;
	s9 =	sadd.s32 s14, s15;
	v19 =	vld [tilespmem:s4+$0x0];
	v23 =	vmov v14  }
.Ltmp0:
0x71: {  	s4 =	sadd.s32 s2, s15;
	s12 =	sadd.s32 $0x80, s15;
	v13 =	vld [tilespmem:s9+$0x0];
	v16 =	vadd.f32 v17, v16;
	(pc) =	sbr.rel @p1 .LBB2_4-.Ltmp0, $4  }
0x72: {  	v11 =	vld [tilespmem:s4+$0x0];
	s4 =	sadd.s32 s14, s12  }
0x73: {  	s9 =	sadd.s32 $0x100, s15;
	v18 =	vmul.f32 v12, v18;
	s12 =	sadd.s32 s2, s12;
	v14 =	vld [tilespmem:s4+$0x0];
	v20 =	vmul.f32 v20, v15  }
0x74: {  	v17 =	vmul.f32 v23, v21;
	s4 =	sadd.s32 s2, s9;
	v12 =	vld [tilespmem:s12+$0x0];
	s12 =	sadd.s32 $0x180, s15  }
0x75: {  	s5 =	sadd.s32 $0x100, s5;
	s8 =	sadd.s32 $0x20, s8;
	v15 =	vld [tilespmem:s4+$0x0];
	s4 =	sadd.s32 s2, s12;
	v18 =	vmul.f32 v20, v18;
	v19 =	vmul.f32 v19, v22  }
0x76: {  	v20 =	vld [tilespmem:s4+$0x0];
	s0 =	sadd.s32 s14, s9  }
0x77: {  	s15 =	sadd.s32 s14, s12;
	v21 =	vld [tilespmem:s0+$0x0]  }
0x78: {  	v22 =	vld [tilespmem:s15+$0x0];
	_ =	sdelay $0x1  }
0x79: {  	v17 =	vmul.f32 v19, v17  }
0x7a: {  	v16 =	vadd.f32 v18, v16;
	v11 =	vmul.f32 v12, v11;
	v60 =	vmul.f32 v20, v15  }
0x7b: {  	v13 =	vmul.f32 v14, v13  }
0x7c: {  	v61 =	vadd.f32 v17, v16;
	v62 =	vmul.f32 v22, v21;
	v11 =	vmul.f32 v60, v11;
	_ =	sdelay $0x1  }
0x7d: {  	v12 =	vmul.f32 v62, v13;
	v11 =	vadd.f32 v11, v61;
	_ =	sdelay $0x1  }
0x7e: {  	v11 =	vadd.f32 v12, v11;
	_ =	sdelay $0x1  }
0x7f: {  	v12 =	vperm.xlane v11, v0;
	_ =	sdelay $0x1  }
0x80: {  	v11 =	vadd.f32 v12, v11;
	_ =	sdelay $0x1  }
0x81: {  	v12 =	vperm.xlane v11, v1;
	_ =	sdelay $0x1  }
0x82: {  	v11 =	vadd.f32 v12, v11;
	_ =	sdelay $0x1  }
0x83: {  	v12 =	vperm.xlane v11, v2;
	_ =	sdelay $0x1  }
0x84: {  	v11 =	vadd.f32 v12, v11;
	_ =	sdelay $0x1  }
0x85: {  	v12 =	vperm.xlane v11, v6;
	_ =	sdelay $0x1  }
0x86: {  	s11 =	sadd.s32 $0x1, s11;
	v11 =	vadd.f32 v12, v11  }
0x87: {  	p1 =	sne.s32 s11, $0x8  }
.Ltmp1:
0x88: {  	v11 =	vmul.f32 $1.953125000e-03, v11;
	(pc) =	sbr.rel @p1 .LBB2_3-.Ltmp1, $4  }
0x89: {  	_ = 	snop  }
0x8a: {  	v63 =	vmul.f32 v11, v11  }
0x8b: {  	v10 =	vadd.f32 v11, v10;
	v11 =	vand.u32 $0x7FFFFFFF, v11  }
0x8c: {  	v8 =	vadd.f32 v11, v8;
	v9 =	vadd.f32 v63, v9  }
0x8d: {  	v11 =	vld @!p0 [tilespmem:$0x80];
	_ =	sdelay $0x4  }
0x8e: {  	v12 =	vshll.u32 @!p0 v11, $0x2  }
0x8f: {  	v13 =	vlaneseq.u32 @!p0;
	v11 =	vand.u32 @!p0 $0x7, v11;
	v12 =	vand.u32 @!p0 $0xFFFFFFE0, v12  }
0x90: {  	v11 =	vor.u32 @!p0 v11, v12;
	v12 =	vand.u32 @!p0 $0x7, v13;
	v13 =	vshrl.u32 @!p0 v13, $0x3  }
0x91: {  	v12 =	vperm.xlane @!p0 v11, v12;
	v13 =	vmul.u32 @!p0 $0x8, v13;
	_ =	sdelay $0x1  }
0x92: {  	v12 =	vadd.s32 @!p0 v13, v12;
	_ =	sdelay $0x3  }
0x93: {  	vm6 =	vmmov @!p0 $0xffff;
	s0 =	simm.s32 @!p0 $0x0;
	s2 =	simm.s32 @!p0 $0x100  }
0x94: {  	[tilespmem:s2], [sflag:$0x1] =	stream.indirect_vreg.gather @!p0 [hbm4b:s3+s0], $0x80, v12, vm6, $0xb8;
	[tilespmem:$0x8180] =	vst v63  }
0x95: {  	s2 =	simm.s32 @!p0 $0x900  }
0x96: {  	[tilespmem:s2], [sflag:$0x1] =	stream.indirect_vreg.gather @!p0 [hbm4b:s7+s0], $0x80, v12, vm6, $0xb8;
	[tilespmem:$0x8180] =	vst v63  }
0x97: {  	v12 =	vld @p0 [tilespmem:$0x40];
	_ =	sdelay $0x4  }
0x98: {  	v13 =	vshll.u32 @p0 v12, $0x2  }
0x99: {  	v14 =	vlaneseq.u32 @p0;
	v12 =	vand.u32 @p0 $0x7, v12;
	v13 =	vand.u32 @p0 $0xFFFFFFE0, v13  }
0x9a: {  	v12 =	vor.u32 @p0 v12, v13;
	v13 =	vand.u32 @p0 $0x7, v14;
	v14 =	vshrl.u32 @p0 v14, $0x3  }
0x9b: {  	v13 =	vperm.xlane @p0 v12, v13;
	v14 =	vmul.u32 @p0 $0x8, v14;
	_ =	sdelay $0x1  }
0x9c: {  	v13 =	vadd.s32 @p0 v14, v13;
	_ =	sdelay $0x1  }
0x9d: {  	v11 =	vpsel p0, v12, v11  }
0x9e: {  	v11 =	vperm.xlane v11, v7  }
0x9f: {  	vm6 =	vmmov @p0 $0xffff;
	s0 =	simm.s32 @p0 $0x0;
	s2 =	simm.s32 @p0 $0x100  }
0xa0: {  	v11 =	vadd.s32 v4, v11;
	[tilespmem:s2], [sflag:$0x1] =	stream.indirect_vreg.gather @p0 [hbm4b:s1+s0], $0x80, v13, vm6, $0xb8;
	[tilespmem:$0x8180] =	vst v63  }
0xa1: {  	s2 =	simm.s32 @p0 $0x900  }
0xa2: {  	[tilespmem:s2], [sflag:$0x1] =	stream.indirect_vreg.gather @p0 [hbm4b:s6+s0], $0x80, v13, vm6, $0xb8;
	[tilespmem:$0x8180] =	vst v63  }
0xa3: {  	s10 =	simm.s32 $0x0;
	s4 =	smov.u32 s7;
	s0 =	smov.u32 s3  }
0xa4: {  	s5 =	simm.s32 $0x1100;
	s2 =	simm.s32 @!p0 $0x90;
	s0 =	smov.u32 @p0 s1  }
0xa5: {  	[tilespmem:s5], [sflag:$0x1] =	stream.indirect_vreg.gather [hbm4b:s0+s10], $0x80, v11, vm0, $0xb8;
	[tilespmem:$0x8180] =	vst v63  }
0xa6: {  	s4 =	smov.u32 @p0 s6;
	s2 =	simm.s32 @p0 $0x50  }
0xa7: {  	[tilespmem:s16], [sflag:$0x1] =	stream.indirect_vreg.gather [hbm4b:s4+s10], $0x80, v11, vm0, $0xb8;
	[tilespmem:$0x8180] =	vst v63  }
0xa8: {  	v11 =	vld [tilespmem:s2+$0x0];
	_ =	sdelay $0x4  }
0xa9: {  	v63 =	vshll.u32 v11, $0x2  }
0xaa: {  	v11 =	vand.u32 $0x7, v11;
	v12 =	vand.u32 $0xFFFFFFE0, v63  }
0xab: {  	v11 =	vor.u32 v11, v12  }
0xac: {  	v12 =	vperm.xlane v11, v3;
	_ =	sdelay $0x1  }
0xad: {  	v12 =	vadd.s32 v4, v12;
	_ =	sdelay $0x1  }
0xae: {  	v11 =	vperm.xlane v11, v7;
	_ =	sdelay $0x1  }
0xaf: {  	v11 =	vadd.s32 v4, v11  }
0xb0: {  	[tilespmem:s17], [sflag:$0x1] =	stream.indirect_vreg.gather [hbm4b:s0+s10], $0x80, v12, vm0, $0xb8;
	[tilespmem:$0x8180] =	vst v63  }
0xb1: {  	_ = 	snop  }
0xb2: {  	[tilespmem:s18], [sflag:$0x1] =	stream.indirect_vreg.gather [hbm4b:s4+s10], $0x80, v12, vm0, $0xb8;
	[tilespmem:$0x8180] =	vst v63  }
0xb3: {  	_ = 	snop  }
0xb4: {  	[tilespmem:s19], [sflag:$0x1] =	stream.indirect_vreg.gather [hbm4b:s0+s10], $0x80, v11, vm0, $0xb8;
	[tilespmem:$0x8180] =	vst v63  }
0xb5: {  	_ = 	snop  }
0xb6: {  	[tilespmem:s20], [sflag:$0x1] =	stream.indirect_vreg.gather [hbm4b:s4+s10], $0x80, v11, vm0, $0xb8;
	[tilespmem:$0x8180] =	vst v63  }
0xb7: {  	_ =	swait.ge [sflag:s31], $0x4000  }
0xb8: {  	[sflag:s31] =	ssyncset.done $0x0  }
0xb9: {  	s11 =	simm.s32 $0x0;
	[sflag:s31] =	ssyncadd.s32 $0xFFFFC000  }
.LBB2_7:
0xba: {  	s0 =	sshll.u32 s11, $0x9;
	s2 =	sshll.u32 s11, $0xB  }
0xbb: {  	s2 =	sand.u32 $0x3000, s2;
	s0 =	sand.u32 $0x200, s0  }
0xbc: {  	s0 =	sor.u32 s0, s2  }
0xbd: {  	s9 =	sand.u32 $0xC00, s10;
	s13 =	sor.u32 $0x4100, s0;
	s0 =	sand.u32 $0x60, s10  }
0xbe: {  	s2 =	sadd.s32 s9, s13;
	s4 =	sor.u32 $0x10, s0  }
0xbf: {  	s5 =	sadd.s32 s4, s2  }
0xc0: {  	s8 =	sadd.s32 s0, s2;
	s9 =	sadd.s32 $0x80, s2;
	v15 =	vld [tilespmem:s5+$0x0]  }
0xc1: {  	v12 =	vld [tilespmem:s8+$0x0];
	s12 =	sadd.s32 s4, s9  }
0xc2: {  	s15 =	sadd.s32 $0x100, s2;
	s14 =	sadd.s32 s0, s9;
	v16 =	vld [tilespmem:s12+$0x0]  }
0xc3: {  	s2 =	sadd.s32 $0x180, s2;
	s8 =	sadd.s32 s0, s15;
	v17 =	vld [tilespmem:s14+$0x0]  }
0xc4: {  	s0 =	sadd.s32 s0, s2;
	v18 =	vld [tilespmem:s8+$0x0];
	s12 =	simm.s32 $0x100;
	s14 =	simm.s32 $0x20  }
0xc5: {  	s15 =	sadd.s32 s4, s15;
	v19 =	vld [tilespmem:s0+$0x0];
	s8 =	sand.u32 $0x60, s14;
	s5 =	sand.u32 $0xC00, s12  }
0xc6: {  	s4 =	sadd.s32 s4, s2;
	v20 =	vld [tilespmem:s15+$0x0];
	s5 =	sadd.s32 s5, s13;
	s14 =	sor.u32 $0x10, s8  }
0xc7: {  	v21 =	vld [tilespmem:s4+$0x0];
	s9 =	sadd.s32 s14, s5  }
0xc8: {  	s12 =	sadd.s32 s8, s5;
	s15 =	sadd.s32 $0x80, s5;
	v13 =	vld [tilespmem:s9+$0x0]  }
0xc9: {  	v11 =	vld [tilespmem:s12+$0x0];
	s2 =	sadd.s32 s14, s15  }
0xca: {  	s12 =	sadd.s32 s8, s15;
	s9 =	sadd.s32 $0x100, s5;
	v14 =	vld [tilespmem:s2+$0x0];
	v22 =	vmul.f32 v17, v12;
	v18 =	vmul.f32 v19, v18  }
0xcb: {  	s0 =	simm.s32 $0x2;
	v12 =	vld [tilespmem:s12+$0x0];
	s15 =	sadd.s32 s8, s9;
	s12 =	sadd.s32 $0x180, s5;
	v17 =	vmul.f32 v16, v15  }
0xcc: {  	v16 =	vimm.f32 $0.0e+00;
	s5 =	simm.s32 $0x200;
	v19 =	vmul.f32 v21, v20;
	v15 =	vld [tilespmem:s15+$0x0];
	s4 =	sadd.s32 s8, s12;
	s8 =	simm.s32 $0x40;
	v18 =	vmul.f32 v18, v22  }
.LBB2_8:
0xcd: {  	s2 =	sand.u32 $0x60, s8  }
0xce: {  	s15 =	sand.u32 $0xC00, s5;
	v20 =	vld [tilespmem:s4+$0x0];
	s4 =	sadd.s32 s14, s9;
	v21 =	vmov v13;
	s0 =	sadd.s32 $0x2, s0  }
0xcf: {  	s15 =	sadd.s32 s15, s13;
	v22 =	vld [tilespmem:s4+$0x0];
	s4 =	sadd.s32 s14, s12;
	s14 =	sor.u32 $0x10, s2;
	v16 =	vadd.f32 v18, v16;
	v17 =	vmul.f32 v19, v17;
	v18 =	vmov v11  }
0xd0: {  	p1 =	slt.u32 s0, $0x1E;
	s9 =	sadd.s32 s14, s15;
	v19 =	vld [tilespmem:s4+$0x0];
	v23 =	vmov v14  }
.Ltmp2:
0xd1: {  	s4 =	sadd.s32 s2, s15;
	s12 =	sadd.s32 $0x80, s15;
	v13 =	vld [tilespmem:s9+$0x0];
	v16 =	vadd.f32 v17, v16;
	(pc) =	sbr.rel @p1 .LBB2_8-.Ltmp2, $4  }
0xd2: {  	v11 =	vld [tilespmem:s4+$0x0];
	s4 =	sadd.s32 s14, s12  }
0xd3: {  	s9 =	sadd.s32 $0x100, s15;
	v18 =	vmul.f32 v12, v18;
	s12 =	sadd.s32 s2, s12;
	v14 =	vld [tilespmem:s4+$0x0];
	v20 =	vmul.f32 v20, v15  }
0xd4: {  	v17 =	vmul.f32 v23, v21;
	s4 =	sadd.s32 s2, s9;
	v12 =	vld [tilespmem:s12+$0x0];
	s12 =	sadd.s32 $0x180, s15  }
0xd5: {  	s5 =	sadd.s32 $0x100, s5;
	s8 =	sadd.s32 $0x20, s8;
	v15 =	vld [tilespmem:s4+$0x0];
	s4 =	sadd.s32 s2, s12;
	v18 =	vmul.f32 v20, v18;
	v19 =	vmul.f32 v19, v22  }
0xd6: {  	v20 =	vld [tilespmem:s4+$0x0];
	s0 =	sadd.s32 s14, s9  }
0xd7: {  	s15 =	sadd.s32 s14, s12;
	v21 =	vld [tilespmem:s0+$0x0]  }
0xd8: {  	v22 =	vld [tilespmem:s15+$0x0];
	_ =	sdelay $0x1  }
0xd9: {  	v17 =	vmul.f32 v19, v17  }
0xda: {  	v16 =	vadd.f32 v18, v16;
	v11 =	vmul.f32 v12, v11;
	v60 =	vmul.f32 v20, v15  }
0xdb: {  	v13 =	vmul.f32 v14, v13  }
0xdc: {  	v61 =	vadd.f32 v17, v16;
	v62 =	vmul.f32 v22, v21;
	v11 =	vmul.f32 v60, v11;
	_ =	sdelay $0x1  }
0xdd: {  	v12 =	vmul.f32 v62, v13;
	v11 =	vadd.f32 v11, v61;
	_ =	sdelay $0x1  }
0xde: {  	v11 =	vadd.f32 v12, v11;
	_ =	sdelay $0x1  }
0xdf: {  	v12 =	vperm.xlane v11, v0;
	_ =	sdelay $0x1  }
0xe0: {  	v11 =	vadd.f32 v12, v11;
	_ =	sdelay $0x1  }
0xe1: {  	v12 =	vperm.xlane v11, v1;
	_ =	sdelay $0x1  }
0xe2: {  	v11 =	vadd.f32 v12, v11;
	_ =	sdelay $0x1  }
0xe3: {  	v12 =	vperm.xlane v11, v2;
	_ =	sdelay $0x1  }
0xe4: {  	v11 =	vadd.f32 v12, v11;
	_ =	sdelay $0x1  }
0xe5: {  	v12 =	vperm.xlane v11, v6;
	_ =	sdelay $0x1  }
0xe6: {  	s11 =	sadd.s32 $0x1, s11;
	v11 =	vadd.f32 v12, v11  }
0xe7: {  	p1 =	sne.s32 s11, $0x8  }
.Ltmp3:
0xe8: {  	v11 =	vmul.f32 $1.953125000e-03, v11;
	(pc) =	sbr.rel @p1 .LBB2_7-.Ltmp3, $4  }
0xe9: {  	_ = 	snop  }
0xea: {  	v63 =	vmul.f32 v11, v11  }
0xeb: {  	v10 =	vadd.f32 v11, v10;
	v11 =	vand.u32 $0x7FFFFFFF, v11  }
0xec: {  	v8 =	vadd.f32 v11, v8;
	v9 =	vadd.f32 v63, v9  }
.Ltmp4:
0xed: {  	(pc) =	sbr.rel @p0 .LBB2_2-.Ltmp4, $3  }
0xee: {  	_ =	sdelay $0x1  }
0xef: {  	p1 =	por $0x1, $0x1;
	s0 =	simm.s32 $0xB0;
	s4 =	simm.s32 $0xA0  }
0xf0: {  	v11 =	vimm.f32 $0.0e+00;
	p2 =	por $0x0, $0x0;
	s5 =	simm.s32 $0x70;
	s8 =	simm.s32 $0x60;
	v12 =	vimm.f32 $0.0e+00;
	v13 =	vimm.f32 $0.0e+00  }
.LBB2_11:
0xf1: {  	v14 =	vld [tilespmem:s4+$0x0];
	_ =	sdelay $0x4  }
0xf2: {  	v15 =	vshll.u32 v14, $0x2  }
0xf3: {  	v14 =	vand.u32 $0x7, v14;
	v15 =	vand.u32 $0xFFFFFFE0, v15  }
0xf4: {  	v14 =	vor.u32 v14, v15  }
0xf5: {  	v15 =	vperm.xlane v14, v3;
	_ =	sdelay $0x1  }
0xf6: {  	v15 =	vadd.s32 v4, v15;
	_ =	sdelay $0x1  }
0xf7: {  	v14 =	vperm.xlane v14, v5;
	_ =	sdelay $0x1  }
0xf8: {  	s10 =	simm.s32 $0x0;
	v14 =	vadd.s32 v4, v14  }
0xf9: {  	[tilespmem:s21], [sflag:$0x2] =	stream.indirect_vreg.gather [hbm4b:s3+s10], $0x80, v15, vm0, $0xb8;
	[tilespmem:$0x8180] =	vst v63  }
0xfa: {  	_ = 	snop  }
0xfb: {  	[tilespmem:s22], [sflag:$0x2] =	stream.indirect_vreg.gather [hbm4b:s7+s10], $0x80, v15, vm0, $0xb8;
	[tilespmem:$0x8180] =	vst v63  }
0xfc: {  	_ = 	snop  }
0xfd: {  	[tilespmem:s23], [sflag:$0x2] =	stream.indirect_vreg.gather [hbm4b:s3+s10], $0x80, v14, vm0, $0xb8;
	[tilespmem:$0x8180] =	vst v63  }
0xfe: {  	_ = 	snop  }
0xff: {  	[tilespmem:s24], [sflag:$0x2] =	stream.indirect_vreg.gather [hbm4b:s7+s10], $0x80, v14, vm0, $0xb8;
	[tilespmem:$0x8180] =	vst v63  }
0x100: {  	v14 =	vld [tilespmem:s0+$0x0];
	_ =	sdelay $0x4  }
0x101: {  	v15 =	vshll.u32 v14, $0x2  }
0x102: {  	v14 =	vand.u32 $0x7, v14;
	v15 =	vand.u32 $0xFFFFFFE0, v15  }
0x103: {  	v14 =	vor.u32 v14, v15  }
0x104: {  	v15 =	vperm.xlane v14, v3;
	_ =	sdelay $0x1  }
0x105: {  	v15 =	vadd.s32 v4, v15;
	_ =	sdelay $0x1  }
0x106: {  	v14 =	vperm.xlane v14, v5;
	_ =	sdelay $0x1  }
0x107: {  	v14 =	vadd.s32 v4, v14  }
0x108: {  	[tilespmem:s25], [sflag:$0x2] =	stream.indirect_vreg.gather [hbm4b:s3+s10], $0x80, v15, vm0, $0xb8;
	[tilespmem:$0x8180] =	vst v63  }
0x109: {  	_ = 	snop  }
0x10a: {  	[tilespmem:s26], [sflag:$0x2] =	stream.indirect_vreg.gather [hbm4b:s7+s10], $0x80, v15, vm0, $0xb8;
	[tilespmem:$0x8180] =	vst v63  }
0x10b: {  	_ = 	snop  }
0x10c: {  	[tilespmem:s28], [sflag:$0x2] =	stream.indirect_vreg.gather [hbm4b:s3+s10], $0x80, v14, vm0, $0xb8;
	[tilespmem:$0x8180] =	vst v63  }
0x10d: {  	_ = 	snop  }
0x10e: {  	[tilespmem:s29], [sflag:$0x2] =	stream.indirect_vreg.gather [hbm4b:s7+s10], $0x80, v14, vm0, $0xb8;
	[tilespmem:$0x8180] =	vst v63  }
0x10f: {  	_ =	swait.ge [sflag:s30], $0x4000  }
0x110: {  	[sflag:s30] =	ssyncset.done $0x0  }
0x111: {  	p0 =	por p1, p1;
	s11 =	simm.s32 $0x0;
	[sflag:s30] =	ssyncadd.s32 $0xFFFFC000  }
.LBB2_12:
0x112: {  	s0 =	sshll.u32 s11, $0x9;
	s2 =	sshll.u32 s11, $0xB  }
0x113: {  	s2 =	sand.u32 $0x3000, s2;
	s0 =	sand.u32 $0x200, s0  }
0x114: {  	s0 =	sor.u32 s0, s2  }
0x115: {  	s9 =	sand.u32 $0xC00, s10;
	s13 =	sor.u32 $0x100, s0;
	s0 =	sand.u32 $0x60, s10  }
0x116: {  	s2 =	sadd.s32 s9, s13;
	s4 =	sor.u32 $0x10, s0  }
0x117: {  	s5 =	sadd.s32 s4, s2  }
0x118: {  	s8 =	sadd.s32 s0, s2;
	s9 =	sadd.s32 $0x80, s2;
	v18 =	vld [tilespmem:s5+$0x0]  }
0x119: {  	v15 =	vld [tilespmem:s8+$0x0];
	s12 =	sadd.s32 s4, s9  }
0x11a: {  	s15 =	sadd.s32 $0x100, s2;
	s14 =	sadd.s32 s0, s9;
	v19 =	vld [tilespmem:s12+$0x0]  }
0x11b: {  	s2 =	sadd.s32 $0x180, s2;
	s8 =	sadd.s32 s0, s15;
	v20 =	vld [tilespmem:s14+$0x0]  }
0x11c: {  	s0 =	sadd.s32 s0, s2;
	v21 =	vld [tilespmem:s8+$0x0];
	s12 =	simm.s32 $0x100;
	s14 =	simm.s32 $0x20  }
0x11d: {  	s15 =	sadd.s32 s4, s15;
	v22 =	vld [tilespmem:s0+$0x0];
	s8 =	sand.u32 $0x60, s14;
	s5 =	sand.u32 $0xC00, s12  }
0x11e: {  	s4 =	sadd.s32 s4, s2;
	v23 =	vld [tilespmem:s15+$0x0];
	s5 =	sadd.s32 s5, s13;
	s14 =	sor.u32 $0x10, s8  }
0x11f: {  	v24 =	vld [tilespmem:s4+$0x0];
	s9 =	sadd.s32 s14, s5  }
0x120: {  	s12 =	sadd.s32 s8, s5;
	s15 =	sadd.s32 $0x80, s5;
	v16 =	vld [tilespmem:s9+$0x0]  }
0x121: {  	v14 =	vld [tilespmem:s12+$0x0];
	s2 =	sadd.s32 s14, s15  }
0x122: {  	s12 =	sadd.s32 s8, s15;
	s9 =	sadd.s32 $0x100, s5;
	v17 =	vld [tilespmem:s2+$0x0];
	v25 =	vmul.f32 v20, v15;
	v21 =	vmul.f32 v22, v21  }
0x123: {  	s0 =	simm.s32 $0x2;
	v15 =	vld [tilespmem:s12+$0x0];
	s15 =	sadd.s32 s8, s9;
	s12 =	sadd.s32 $0x180, s5;
	v20 =	vmul.f32 v19, v18  }
0x124: {  	v19 =	vimm.f32 $0.0e+00;
	s5 =	simm.s32 $0x200;
	v22 =	vmul.f32 v24, v23;
	v18 =	vld [tilespmem:s15+$0x0];
	s4 =	sadd.s32 s8, s12;
	s8 =	simm.s32 $0x40;
	v21 =	vmul.f32 v21, v25  }
.LBB2_13:
0x125: {  	s2 =	sand.u32 $0x60, s8  }
0x126: {  	s15 =	sand.u32 $0xC00, s5;
	v23 =	vld [tilespmem:s4+$0x0];
	s4 =	sadd.s32 s14, s9;
	v24 =	vmov v16;
	s0 =	sadd.s32 $0x2, s0  }
0x127: {  	s15 =	sadd.s32 s15, s13;
	v25 =	vld [tilespmem:s4+$0x0];
	s4 =	sadd.s32 s14, s12;
	s14 =	sor.u32 $0x10, s2;
	v19 =	vadd.f32 v21, v19;
	v20 =	vmul.f32 v22, v20;
	v21 =	vmov v14  }
0x128: {  	p1 =	slt.u32 s0, $0x1E;
	s9 =	sadd.s32 s14, s15;
	v22 =	vld [tilespmem:s4+$0x0];
	v26 =	vmov v17  }
.Ltmp5:
0x129: {  	s4 =	sadd.s32 s2, s15;
	s12 =	sadd.s32 $0x80, s15;
	v16 =	vld [tilespmem:s9+$0x0];
	v19 =	vadd.f32 v20, v19;
	(pc) =	sbr.rel @p1 .LBB2_13-.Ltmp5, $4  }
0x12a: {  	v14 =	vld [tilespmem:s4+$0x0];
	s4 =	sadd.s32 s14, s12  }
0x12b: {  	s9 =	sadd.s32 $0x100, s15;
	v21 =	vmul.f32 v15, v21;
	s12 =	sadd.s32 s2, s12;
	v17 =	vld [tilespmem:s4+$0x0];
	v23 =	vmul.f32 v23, v18  }
0x12c: {  	v20 =	vmul.f32 v26, v24;
	s4 =	sadd.s32 s2, s9;
	v15 =	vld [tilespmem:s12+$0x0];
	s12 =	sadd.s32 $0x180, s15  }
0x12d: {  	s5 =	sadd.s32 $0x100, s5;
	s8 =	sadd.s32 $0x20, s8;
	v18 =	vld [tilespmem:s4+$0x0];
	s4 =	sadd.s32 s2, s12;
	v21 =	vmul.f32 v23, v21;
	v22 =	vmul.f32 v22, v25  }
0x12e: {  	v23 =	vld [tilespmem:s4+$0x0];
	s0 =	sadd.s32 s14, s9  }
0x12f: {  	s15 =	sadd.s32 s14, s12;
	v24 =	vld [tilespmem:s0+$0x0]  }
0x130: {  	v25 =	vld [tilespmem:s15+$0x0];
	_ =	sdelay $0x1  }
0x131: {  	v20 =	vmul.f32 v22, v20  }
0x132: {  	v19 =	vadd.f32 v21, v19;
	v14 =	vmul.f32 v15, v14;
	v15 =	vmul.f32 v23, v18  }
0x133: {  	v16 =	vmul.f32 v17, v16  }
0x134: {  	v63 =	vadd.f32 v20, v19;
	v14 =	vmul.f32 v15, v14;
	v15 =	vmul.f32 v25, v24;
	_ =	sdelay $0x1  }
0x135: {  	v14 =	vadd.f32 v14, v63;
	v15 =	vmul.f32 v15, v16;
	_ =	sdelay $0x1  }
0x136: {  	v14 =	vadd.f32 v15, v14;
	_ =	sdelay $0x1  }
0x137: {  	v15 =	vperm.xlane v14, v0;
	_ =	sdelay $0x1  }
0x138: {  	v14 =	vadd.f32 v15, v14;
	_ =	sdelay $0x1  }
0x139: {  	v15 =	vperm.xlane v14, v1;
	_ =	sdelay $0x1  }
0x13a: {  	v14 =	vadd.f32 v15, v14;
	_ =	sdelay $0x1  }
0x13b: {  	v15 =	vperm.xlane v14, v2;
	_ =	sdelay $0x1  }
0x13c: {  	v14 =	vadd.f32 v15, v14;
	_ =	sdelay $0x1  }
0x13d: {  	v15 =	vperm.xlane v14, v6;
	_ =	sdelay $0x1  }
0x13e: {  	s11 =	sadd.s32 $0x1, s11;
	v14 =	vadd.f32 v15, v14  }
0x13f: {  	p1 =	sne.s32 s11, $0x8  }
.Ltmp6:
0x140: {  	v14 =	vmul.f32 $1.953125000e-03, v14;
	(pc) =	sbr.rel @p1 .LBB2_12-.Ltmp6, $4  }
0x141: {  	_ = 	snop  }
0x142: {  	v15 =	vmul.f32 v14, v14  }
0x143: {  	v13 =	vadd.f32 v14, v13;
	v14 =	vand.u32 $0x7FFFFFFF, v14  }
0x144: {  	v11 =	vadd.f32 v14, v11;
	v12 =	vadd.f32 v15, v12  }
0x145: {  	v14 =	vld @p0 [tilespmem:$0xC0];
	_ =	sdelay $0x4  }
0x146: {  	v15 =	vshll.u32 @p0 v14, $0x2  }
0x147: {  	v16 =	vlaneseq.u32 @p0;
	v14 =	vand.u32 @p0 $0x7, v14;
	v15 =	vand.u32 @p0 $0xFFFFFFE0, v15  }
0x148: {  	v17 =	vshrl.u32 @p0 v16, $0x3;
	v14 =	vor.u32 @p0 v14, v15;
	v15 =	vand.u32 @p0 $0x7, v16  }
0x149: {  	v17 =	vmul.u32 @p0 $0x8, v17;
	v18 =	vperm.xlane @p0 v14, v15;
	_ =	sdelay $0x1  }
0x14a: {  	v18 =	vadd.s32 @p0 v17, v18  }
0x14b: {  	v16 =	vor.u32 @p0 $0x8, v16  }
0x14c: {  	v14 =	vperm.xlane @p0 v14, v16;
	_ =	sdelay $0x1  }
0x14d: {  	vm6 =	vmmov @p0 $0xffff;
	s0 =	simm.s32 @p0 $0x0;
	s2 =	simm.s32 @p0 $0x100;
	v14 =	vadd.s32 @p0 v17, v14  }
0x14e: {  	[tilespmem:s2], [sflag:$0x1] =	stream.indirect_vreg.gather @p0 [hbm4b:s3+s0], $0x80, v18, vm6, $0xb8;
	[tilespmem:$0x8180] =	vst v63  }
0x14f: {  	s2 =	simm.s32 @p0 $0x900  }
0x150: {  	[tilespmem:s2], [sflag:$0x1] =	stream.indirect_vreg.gather @p0 [hbm4b:s7+s0], $0x80, v18, vm6, $0xb8;
	[tilespmem:$0x8180] =	vst v63  }
0x151: {  	s2 =	simm.s32 @p0 $0x1100  }
0x152: {  	[tilespmem:s2], [sflag:$0x1] =	stream.indirect_vreg.gather @p0 [hbm4b:s3+s0], $0x80, v14, vm6, $0xb8;
	[tilespmem:$0x8180] =	vst v63  }
0x153: {  	s2 =	simm.s32 @p0 $0x1900  }
0x154: {  	[tilespmem:s2], [sflag:$0x1] =	stream.indirect_vreg.gather @p0 [hbm4b:s7+s0], $0x80, v14, vm6, $0xb8;
	[tilespmem:$0x8180] =	vst v63  }
0x155: {  	v14 =	vld @p0 [tilespmem:$0xD0];
	_ =	sdelay $0x4  }
0x156: {  	v18 =	vshll.u32 @p0 v14, $0x2  }
0x157: {  	v14 =	vand.u32 @p0 $0x7, v14;
	v18 =	vand.u32 @p0 $0xFFFFFFE0, v18  }
0x158: {  	v14 =	vor.u32 @p0 v14, v18  }
0x159: {  	v15 =	vperm.xlane @p0 v14, v15;
	_ =	sdelay $0x1  }
0x15a: {  	v15 =	vadd.s32 @p0 v17, v15;
	_ =	sdelay $0x1  }
0x15b: {  	v14 =	vperm.xlane @p0 v14, v16;
	_ =	sdelay $0x1  }
0x15c: {  	s2 =	simm.s32 @p0 $0x2100;
	v14 =	vadd.s32 @p0 v17, v14  }
0x15d: {  	[tilespmem:s2], [sflag:$0x1] =	stream.indirect_vreg.gather @p0 [hbm4b:s3+s0], $0x80, v15, vm6, $0xb8;
	[tilespmem:$0x8180] =	vst v63  }
0x15e: {  	s2 =	simm.s32 @p0 $0x2900  }
0x15f: {  	[tilespmem:s2], [sflag:$0x1] =	stream.indirect_vreg.gather @p0 [hbm4b:s7+s0], $0x80, v15, vm6, $0xb8;
	[tilespmem:$0x8180] =	vst v63  }
0x160: {  	s2 =	simm.s32 @p0 $0x3100  }
0x161: {  	[tilespmem:s2], [sflag:$0x1] =	stream.indirect_vreg.gather @p0 [hbm4b:s3+s0], $0x80, v14, vm6, $0xb8;
	[tilespmem:$0x8180] =	vst v63  }
0x162: {  	s2 =	simm.s32 @p0 $0x3900  }
0x163: {  	[tilespmem:s2], [sflag:$0x1] =	stream.indirect_vreg.gather @p0 [hbm4b:s7+s0], $0x80, v14, vm6, $0xb8;
	[tilespmem:$0x8180] =	vst v63  }
0x164: {  	_ =	swait.ge [sflag:s31], $0x4000  }
0x165: {  	[sflag:s31] =	ssyncset.done $0x0  }
0x166: {  	s10 =	simm.s32 $0x0;
	s11 =	simm.s32 $0x0;
	[sflag:s31] =	ssyncadd.s32 $0xFFFFC000  }
.LBB2_16:
0x167: {  	s0 =	sshll.u32 s11, $0x9;
	s2 =	sshll.u32 s11, $0xB  }
0x168: {  	s2 =	sand.u32 $0x3000, s2;
	s0 =	sand.u32 $0x200, s0  }
0x169: {  	s0 =	sor.u32 s0, s2  }
0x16a: {  	s9 =	sand.u32 $0xC00, s10;
	s13 =	sor.u32 $0x4100, s0;
	s0 =	sand.u32 $0x60, s10  }
0x16b: {  	s2 =	sadd.s32 s9, s13;
	s4 =	sor.u32 $0x10, s0  }
0x16c: {  	s5 =	sadd.s32 s4, s2  }
0x16d: {  	s8 =	sadd.s32 s0, s2;
	s9 =	sadd.s32 $0x80, s2;
	v18 =	vld [tilespmem:s5+$0x0]  }
0x16e: {  	v15 =	vld [tilespmem:s8+$0x0];
	s12 =	sadd.s32 s4, s9  }
0x16f: {  	s15 =	sadd.s32 $0x100, s2;
	s14 =	sadd.s32 s0, s9;
	v19 =	vld [tilespmem:s12+$0x0]  }
0x170: {  	s2 =	sadd.s32 $0x180, s2;
	s8 =	sadd.s32 s0, s15;
	v20 =	vld [tilespmem:s14+$0x0]  }
0x171: {  	s0 =	sadd.s32 s0, s2;
	v21 =	vld [tilespmem:s8+$0x0];
	s12 =	simm.s32 $0x100;
	s14 =	simm.s32 $0x20  }
0x172: {  	s15 =	sadd.s32 s4, s15;
	v22 =	vld [tilespmem:s0+$0x0];
	s8 =	sand.u32 $0x60, s14;
	s5 =	sand.u32 $0xC00, s12  }
0x173: {  	s4 =	sadd.s32 s4, s2;
	v23 =	vld [tilespmem:s15+$0x0];
	s5 =	sadd.s32 s5, s13;
	s14 =	sor.u32 $0x10, s8  }
0x174: {  	v24 =	vld [tilespmem:s4+$0x0];
	s9 =	sadd.s32 s14, s5  }
0x175: {  	s12 =	sadd.s32 s8, s5;
	s15 =	sadd.s32 $0x80, s5;
	v16 =	vld [tilespmem:s9+$0x0]  }
0x176: {  	v14 =	vld [tilespmem:s12+$0x0];
	s2 =	sadd.s32 s14, s15  }
0x177: {  	s12 =	sadd.s32 s8, s15;
	s9 =	sadd.s32 $0x100, s5;
	v17 =	vld [tilespmem:s2+$0x0];
	v25 =	vmul.f32 v20, v15;
	v21 =	vmul.f32 v22, v21  }
0x178: {  	s0 =	simm.s32 $0x2;
	v15 =	vld [tilespmem:s12+$0x0];
	s15 =	sadd.s32 s8, s9;
	s12 =	sadd.s32 $0x180, s5;
	v20 =	vmul.f32 v19, v18  }
0x179: {  	v19 =	vimm.f32 $0.0e+00;
	s5 =	simm.s32 $0x200;
	v22 =	vmul.f32 v24, v23;
	v18 =	vld [tilespmem:s15+$0x0];
	s4 =	sadd.s32 s8, s12;
	s8 =	simm.s32 $0x40;
	v21 =	vmul.f32 v21, v25  }
.LBB2_17:
0x17a: {  	s2 =	sand.u32 $0x60, s8  }
0x17b: {  	s15 =	sand.u32 $0xC00, s5;
	v23 =	vld [tilespmem:s4+$0x0];
	s4 =	sadd.s32 s14, s9;
	v24 =	vmov v16;
	s0 =	sadd.s32 $0x2, s0  }
0x17c: {  	s15 =	sadd.s32 s15, s13;
	v25 =	vld [tilespmem:s4+$0x0];
	s4 =	sadd.s32 s14, s12;
	s14 =	sor.u32 $0x10, s2;
	v19 =	vadd.f32 v21, v19;
	v20 =	vmul.f32 v22, v20;
	v21 =	vmov v14  }
0x17d: {  	p1 =	slt.u32 s0, $0x1E;
	s9 =	sadd.s32 s14, s15;
	v22 =	vld [tilespmem:s4+$0x0];
	v26 =	vmov v17  }
.Ltmp7:
0x17e: {  	s4 =	sadd.s32 s2, s15;
	s12 =	sadd.s32 $0x80, s15;
	v16 =	vld [tilespmem:s9+$0x0];
	v19 =	vadd.f32 v20, v19;
	(pc) =	sbr.rel @p1 .LBB2_17-.Ltmp7, $4  }
0x17f: {  	v14 =	vld [tilespmem:s4+$0x0];
	s4 =	sadd.s32 s14, s12  }
0x180: {  	s9 =	sadd.s32 $0x100, s15;
	v21 =	vmul.f32 v15, v21;
	s12 =	sadd.s32 s2, s12;
	v17 =	vld [tilespmem:s4+$0x0];
	v23 =	vmul.f32 v23, v18  }
0x181: {  	v20 =	vmul.f32 v26, v24;
	s4 =	sadd.s32 s2, s9;
	v15 =	vld [tilespmem:s12+$0x0];
	s12 =	sadd.s32 $0x180, s15  }
0x182: {  	s5 =	sadd.s32 $0x100, s5;
	s8 =	sadd.s32 $0x20, s8;
	v18 =	vld [tilespmem:s4+$0x0];
	s4 =	sadd.s32 s2, s12;
	v21 =	vmul.f32 v23, v21;
	v22 =	vmul.f32 v22, v25  }
0x183: {  	v23 =	vld [tilespmem:s4+$0x0];
	s0 =	sadd.s32 s14, s9  }
0x184: {  	s15 =	sadd.s32 s14, s12;
	v24 =	vld [tilespmem:s0+$0x0]  }
0x185: {  	v25 =	vld [tilespmem:s15+$0x0];
	_ =	sdelay $0x1  }
0x186: {  	v20 =	vmul.f32 v22, v20  }
0x187: {  	v19 =	vadd.f32 v21, v19;
	v14 =	vmul.f32 v15, v14;
	v15 =	vmul.f32 v23, v18  }
0x188: {  	v16 =	vmul.f32 v17, v16  }
0x189: {  	v63 =	vadd.f32 v20, v19;
	v14 =	vmul.f32 v15, v14;
	v15 =	vmul.f32 v25, v24;
	_ =	sdelay $0x1  }
0x18a: {  	v14 =	vadd.f32 v14, v63;
	v15 =	vmul.f32 v15, v16;
	_ =	sdelay $0x1  }
0x18b: {  	v14 =	vadd.f32 v15, v14;
	_ =	sdelay $0x1  }
0x18c: {  	v15 =	vperm.xlane v14, v0;
	_ =	sdelay $0x1  }
0x18d: {  	v14 =	vadd.f32 v15, v14;
	_ =	sdelay $0x1  }
0x18e: {  	v15 =	vperm.xlane v14, v1;
	_ =	sdelay $0x1  }
0x18f: {  	v14 =	vadd.f32 v15, v14;
	_ =	sdelay $0x1  }
0x190: {  	v15 =	vperm.xlane v14, v2;
	_ =	sdelay $0x1  }
0x191: {  	v14 =	vadd.f32 v15, v14;
	_ =	sdelay $0x1  }
0x192: {  	v15 =	vperm.xlane v14, v6;
	_ =	sdelay $0x1  }
0x193: {  	s11 =	sadd.s32 $0x1, s11;
	v14 =	vadd.f32 v15, v14  }
0x194: {  	p1 =	sne.s32 s11, $0x8  }
.Ltmp8:
0x195: {  	v14 =	vmul.f32 $1.953125000e-03, v14;
	(pc) =	sbr.rel @p1 .LBB2_16-.Ltmp8, $4  }
0x196: {  	_ = 	snop  }
0x197: {  	v15 =	vmul.f32 v14, v14  }
0x198: {  	v13 =	vadd.f32 v14, v13;
	v14 =	vand.u32 $0x7FFFFFFF, v14  }
0x199: {  	v11 =	vadd.f32 v14, v11;
	v12 =	vadd.f32 v15, v12  }
.Ltmp9:
0x19a: {  	(pc) =	sbr.rel @p0 .LBB2_11-.Ltmp9, $2  }
0x19b: {  	_ =	sdelay $0x2  }
0x19c: {  	p1 =	por $0x0, $0x0;
	s0 =	simm.s32 $0xF0;
	s4 =	simm.s32 $0xE0  }
0x19d: {  	vm6 =	vmmov $0x1  }
0x19e: {  	v9 =	vsel vm1, $0x0, v9;
	v10 =	vnsel vm6, $0x0, v10  }
0x19f: {  	v9 =	vadd.f32 v9, v10  }
0x1a0: {  	v8 =	vsel vm2, $0x0, v8  }
0x1a1: {  	v8 =	vadd.f32 v8, v9  }
0x1a2: {  	v61 =	vsel vm3, $0x0, v13  }
0x1a3: {  	v8 =	vadd.f32 v61, v8  }
0x1a4: {  	v62 =	vsel vm4, $0x0, v12  }
0x1a5: {  	v8 =	vadd.f32 v62, v8  }
0x1a6: {  	v63 =	vsel vm5, $0x0, v11  }
0x1a7: {  	v8 =	vadd.f32 v63, v8  }
0x1a8: {  	s8 =	simm.s32 $0x0  }
0x1a9: {  	s0 =	rddreg [dreg:$0x5];
	s2 =	simm.s32 $0x8100;
	s5 =	simm.s32 $0x3;
	[tilespmem:$0x8100] =	vst v8  }
0x1aa: {  	[hbm4b:s0+s8] =	stream.linear.scatter [tilespmem:s2], [sflag:$0x3], $0x80, $0x38;
	[tilespmem:$0x8180] =	vst v63  }
0x1ab: {  	_ =	swait.ge [sflag:s5], $0x80  }
0x1ac: {  	s14 =	rddreg [dreg:$0x7]  }
0x1ad: {  	s15 =	rddreg [dreg:$0x6];
	s2 =	sadd.s32 $0x1, s14  }
0x1ae: {  	p0 =	sne.s32 s2, s15  }
.Ltmp10:
0x1af: {  	_ = 	snop;
	(pc) =	sbr.rel @p0 .LBB2_1-.Ltmp10, $3  }
0x1b0: {  	_ =	sdelay $0x1  }
0x1b1: {  	[sflag:s5] =	ssyncset.done $0x0  }
0x1b2: {  	[sflag:s5] =	ssyncadd.s32 $0xFFFFFF80  }
0x1b3: {  	_ =	sfence.sel $0x180000  }
0x1b4: {  	[bflag:$0x0] =	sbarrier.arrive $0xFFFF  }
0x1b5: {  	_ =	strace $0x90000047  }
0x1b6: {  	s0 =	stileid.u32;
	[bflag:$0x2] =	sbarrier.arrive $0xFFFF  }
0x1b7: {  	p0 =	sne.s32 s0, $0x0;
	s0 =	rddreg [dreg:$0x3]  }
0x1b8: {  	s0 =	sadd.s32 @!p0 $0x100000, s0  }
0x1b9: {  	[sflag:s0] =	ssyncadd.tile.s32 @!p0 $0x1;
	_ =	shalt  }
.Lfunc_end2:
_tile_overlayer_lowered:
.L_overlay_start_2:
0x1ba: {  	(tag) =	ssettag $0x2  }
0x1bb: {  	s0 =	rddreg [dreg:$0x0];
	s2 =	stileid.u32  }
0x1bc: {  	s1 =	rddreg [dreg:$0x1];
	p0 =	sne.s32 s2, $0x0  }
0x1bd: {  	s3 =	rddreg [dreg:$0x2];
	[bflag:$0x3] =	sbarrier.arrive $0xFFFF;
	s2 =	simm.s32 @!p0 $0x1C03  }
0x1be: {  	[timem:s3], [sflag:s2] =	dma.local @!p0 [hbm:s0], s1  }
0x1bf: {  	s0 =	simm.s32 @!p0 $0x3  }
0x1c0: {  	_ =	swait.ge @!p0 [sflag:s0], s1  }
0x1c1: {  	s1 =	ssub.s32 @!p0 $0x0, s1;
	[sflag:s0] =	ssyncset.done @!p0 $0x0  }
0x1c2: {  	[sflag:s0] =	ssyncadd.s32 @!p0 s1  }
0x1c3: {  	[bflag:$0x3] =	sbarrier.arrive $0xFFFF  }
0x1c4: {  	_ =	shalt  }

</sc_bundles>
